<compile_context>
chip_gen: v7x
topology: tpu7x:2x2x1
jax: 0.10.2.dev20260603
libtpu: 0.0.44.dev20260713+nightly
codegen_flags: <defaults>
</compile_context>

<pallas_src>
import functools

import jax
import jax.numpy as jnp
from jax import lax
from jax.experimental import pallas as pl
from jax.experimental.pallas import tpu as pltpu
from jax.experimental.pallas import tpu_sc as plsc

NC = 2
NS = 16
NW = NC * NS
CH = 128
NBUF = 7


@functools.lru_cache(maxsize=None)
def _make_lookup(B, V, D):
    assert B % (NW * CH) == 0
    bpw = B // NW
    k = bpw // CH
    rounds = k // NBUF
    tail = k - rounds * NBUF

    mesh = plsc.VectorSubcoreMesh(core_axis_name="c", subcore_axis_name="s")

    @functools.partial(
        pl.kernel,
        mesh=mesh,
        out_type=jax.ShapeDtypeStruct((B, D), jnp.float32),
        scratch_types=[
            pltpu.VMEM((k, CH), jnp.int32),
            pltpu.VMEM((NBUF, CH, D), jnp.float32),
            pltpu.SemaphoreType.DMA((NBUF,)),
            pltpu.SemaphoreType.DMA((NBUF,)),
            pltpu.SemaphoreType.DMA,
        ],
    )
    def lookup(idx_hbm, table_hbm, out_hbm, idx_v, rows_v, gsem, osem, isem):
        wid = lax.axis_index("s") * NC + lax.axis_index("c")
        base = wid * bpw

        head = 8
        pltpu.sync_copy(idx_hbm.at[wid, pl.ds(0, head)],
                        idx_v.at[pl.ds(0, head)])
        rest = pltpu.make_async_copy(idx_hbm.at[wid, pl.ds(head, k - head)],
                                     idx_v.at[pl.ds(head, k - head)], isem)
        rest.start()

        def g_copy(j, b):
            return pltpu.make_async_copy(
                table_hbm.at[idx_v.at[j]], rows_v.at[b], gsem.at[b])

        def o_copy(j, b):
            return pltpu.make_async_copy(
                rows_v.at[b], out_hbm.at[pl.ds(base + j * CH, CH)], osem.at[b])

        for b in range(min(NBUF, k)):
            g_copy(b, b).start()

        rest.wait()

        def round_body(i, carry):
            j0 = i * NBUF
            for b in range(NBUF):
                j = j0 + b
                g_copy(j, b).wait()
                o_copy(j, b).start()
                @pl.when(j + NBUF < k)
                def _():
                    o_copy(j, b).wait()
                    g_copy(j + NBUF, b).start()
            return carry

        lax.fori_loop(0, rounds, round_body, 0)

        for t in range(tail):
            j = rounds * NBUF + t
            g_copy(j, t).wait()
            o_copy(j, t).start()

        for d in range(NBUF):
            j = k - NBUF + d
            o_copy(j, j % NBUF).wait()

    return lookup


def kernel(text, table):
    V, D = table.shape
    tokens = text.astype(jnp.int32).reshape(-1)
    B = tokens.shape[0]
    idx = tokens.reshape(NW, B // (NW * CH), CH)
    out = _make_lookup(B, V, D)(idx, table)
    return out.reshape(text.shape + (D,))

# --- scband reference (transcript-rebuilt; emitter-appended) ---
"""Pipeline reference for scband-embedding-layer-19490561590342 (READ-ONLY COPY).

The authoritative reference and input builder live on the scoring server;
editing this copy changes nothing except your own understanding.
"""

import jax, jax.numpy as jnp
import numpy as np

VOCAB = 100000
EMBED_DIM = 128

def setup_inputs(seed: int = 0) -> dict:
    key = jax.random.key(seed)
    k1, k2 = jax.random.split(key)
    text = jax.random.randint(k1, (1024, 200), 0, VOCAB, dtype=jnp.int64 if jax.config.jax_enable_x64 else jnp.int32)
    table = jax.random.normal(k2, (VOCAB, EMBED_DIM), dtype=jnp.float32) * 0.02
    return {"text": text, "table": table}

def reference(text, table):
    # tokens = input_dict['text']; tokens = tokens.long(); embs = self.core(tokens)
    tokens = text.astype(jnp.int32)
    embs = jnp.take(table, tokens, axis=0)
    return embs

if __name__ == "__main__":
    import jax
    _d = setup_inputs()
    print(jax.jit(kernel)(*tuple(_d.values())))

</pallas_src>

<mosaic_0001>
#map = affine_map<(d0, d1) -> (0, 0, 0)>
#map1 = affine_map<(d0, d1) -> (0, 0)>
module attributes {stable_mosaic.version = 14 : i64} {
  func.func @lookup(%arg0: i32, %arg1: i32, %arg2: memref<32x50x128xi32, #tpu.memory_space<hbm>>, %arg3: memref<100000x128xf32, #tpu.memory_space<hbm>>, %arg4: memref<204800x128xf32, #tpu.memory_space<hbm>>, %arg5: memref<50x128xi32, #tpu.memory_space<vmem>>, %arg6: memref<7x128x128xf32, #tpu.memory_space<vmem>>, %arg7: memref<7x!tpu.dma_semaphore, #tpu.memory_space<semaphore_mem>>, %arg8: memref<7x!tpu.dma_semaphore, #tpu.memory_space<semaphore_mem>>, %arg9: memref<!tpu.dma_semaphore, #tpu.memory_space<semaphore_mem>>) attributes {dimension_semantics = [#tpu.dimension_semantics<core_parallel>, #tpu.dimension_semantics<subcore_parallel>], iteration_bounds = array<i64: 2, 16>, scalar_prefetch = 0 : i64, scratch_operands = 5 : i64, tpu.core_type = #tpu.core_type<sc_vector_subcore>, window_params = [{transform_indices = #map}, {transform_indices = #map1}, {transform_indices = #map1}]} {
    %mul3A = arith.constant 2 : i32
    %mul3A_0 = arith.muli %arg1, %mul3A : i32
    %add3A = arith.addi %mul3A_0, %arg0 : i32
    %mul3A_1 = arith.constant 6400 : i32
    %mul3A_2 = arith.muli %add3A, %mul3A_1 : i32
    "tpu.region"() ({
      %run_scoped3A = tpu.sem_alloc : memref<!tpu.dma_semaphore, #tpu.memory_space<semaphore_mem>>
      %dma_start3A_298 = arith.constant 0 : i32
      %dma_start3A_299 = arith.constant 0 : i32
      %dma_start3A_300 = tpu.memref_slice %arg5[%dma_start3A_298, %dma_start3A_299] : memref<50x128xi32, #tpu.memory_space<vmem>> -> memref<8x128xi32, #tpu.memory_space<vmem>>
      %dma_start3A_301 = arith.constant 0 : i32
      %dma_start3A_302 = arith.constant 0 : i32
      %dma_start3A_303 = tpu.memref_slice %arg2[%add3A, %dma_start3A_301, %dma_start3A_302] : memref<32x50x128xi32, #tpu.memory_space<hbm>> -> memref<1x8x128xi32, #tpu.memory_space<hbm>>
      %dma_start3A_304 = tpu.memref_squeeze %dma_start3A_303 : memref<1x8x128xi32, #tpu.memory_space<hbm>> -> memref<8x128xi32, #tpu.memory_space<hbm>>
      %dma_start3A_305 = arith.constant 0 : i32
      %dma_start3A_306 = arith.constant 0 : i32
      %dma_start3A_307 = tpu.memref_slice %arg5[%dma_start3A_305, %dma_start3A_306] : memref<50x128xi32, #tpu.memory_space<vmem>> -> memref<8x128xi32, #tpu.memory_space<vmem>>
      %dma_start3A_308 = arith.constant 0 : i32
      %dma_start3A_309 = arith.constant 0 : i32
      %dma_start3A_310 = tpu.memref_slice %arg2[%add3A, %dma_start3A_308, %dma_start3A_309] : memref<32x50x128xi32, #tpu.memory_space<hbm>> -> memref<1x8x128xi32, #tpu.memory_space<hbm>>
      %dma_start3A_311 = tpu.memref_squeeze %dma_start3A_310 : memref<1x8x128xi32, #tpu.memory_space<hbm>> -> memref<8x128xi32, #tpu.memory_space<hbm>>
      tpu.enqueue_dma source(%dma_start3A_311 : memref<8x128xi32, #tpu.memory_space<hbm>>) target(%dma_start3A_307 : memref<8x128xi32, #tpu.memory_space<vmem>>) target_semaphore(%run_scoped3A : memref<!tpu.dma_semaphore, #tpu.memory_space<semaphore_mem>>)
      %dma_wait3A_312 = arith.constant 0 : i32
      %dma_wait3A_313 = arith.constant 0 : i32
      %dma_wait3A_314 = tpu.memref_slice %arg5[%dma_wait3A_312, %dma_wait3A_313] : memref<50x128xi32, #tpu.memory_space<vmem>> -> memref<8x128xi32, #tpu.memory_space<vmem>>
      %dma_wait3A_315 = arith.constant 0 : i32
      %dma_wait3A_316 = arith.constant 0 : i32
      %dma_wait3A_317 = tpu.memref_slice %arg2[%add3A, %dma_wait3A_315, %dma_wait3A_316] : memref<32x50x128xi32, #tpu.memory_space<hbm>> -> memref<1x8x128xi32, #tpu.memory_space<hbm>>
      %dma_wait3A_318 = tpu.memref_squeeze %dma_wait3A_317 : memref<1x8x128xi32, #tpu.memory_space<hbm>> -> memref<8x128xi32, #tpu.memory_space<hbm>>
      %dma_wait3A_319 = arith.constant 0 : i32
      %dma_wait3A_320 = arith.constant 0 : i32
      %dma_wait3A_321 = tpu.memref_slice %arg5[%dma_wait3A_319, %dma_wait3A_320] : memref<50x128xi32, #tpu.memory_space<vmem>> -> memref<8x128xi32, #tpu.memory_space<vmem>>
      %dma_wait3A_322 = arith.constant 0 : i32
      %dma_wait3A_323 = arith.constant 0 : i32
      %dma_wait3A_324 = tpu.memref_slice %arg2[%add3A, %dma_wait3A_322, %dma_wait3A_323] : memref<32x50x128xi32, #tpu.memory_space<hbm>> -> memref<1x8x128xi32, #tpu.memory_space<hbm>>
      %dma_wait3A_325 = tpu.memref_squeeze %dma_wait3A_324 : memref<1x8x128xi32, #tpu.memory_space<hbm>> -> memref<8x128xi32, #tpu.memory_space<hbm>>
      tpu.wait_dma2 semaphore(%run_scoped3A : memref<!tpu.dma_semaphore, #tpu.memory_space<semaphore_mem>>) src(%dma_wait3A_325 : memref<8x128xi32, #tpu.memory_space<hbm>>) dst(%dma_wait3A_321 : memref<8x128xi32, #tpu.memory_space<vmem>>)
      tpu.yield
    }) : () -> ()
    %dma_start3A = arith.constant 8 : i32
    %dma_start3A_3 = arith.constant 0 : i32
    %dma_start3A_4 = tpu.memref_slice %arg5[%dma_start3A, %dma_start3A_3] : memref<50x128xi32, #tpu.memory_space<vmem>> -> memref<42x128xi32, #tpu.memory_space<vmem>>
    %dma_start3A_5 = arith.constant 8 : i32
    %dma_start3A_6 = arith.constant 0 : i32
    %dma_start3A_7 = tpu.memref_slice %arg2[%add3A, %dma_start3A_5, %dma_start3A_6] : memref<32x50x128xi32, #tpu.memory_space<hbm>> -> memref<1x42x128xi32, #tpu.memory_space<hbm>>
    %dma_start3A_8 = tpu.memref_squeeze %dma_start3A_7 : memref<1x42x128xi32, #tpu.memory_space<hbm>> -> memref<42x128xi32, #tpu.memory_space<hbm>>
    %dma_start3A_9 = arith.constant 8 : i32
    %dma_start3A_10 = arith.constant 0 : i32
    %dma_start3A_11 = tpu.memref_slice %arg5[%dma_start3A_9, %dma_start3A_10] : memref<50x128xi32, #tpu.memory_space<vmem>> -> memref<42x128xi32, #tpu.memory_space<vmem>>
    %dma_start3A_12 = arith.constant 8 : i32
    %dma_start3A_13 = arith.constant 0 : i32
    %dma_start3A_14 = tpu.memref_slice %arg2[%add3A, %dma_start3A_12, %dma_start3A_13] : memref<32x50x128xi32, #tpu.memory_space<hbm>> -> memref<1x42x128xi32, #tpu.memory_space<hbm>>
    %dma_start3A_15 = tpu.memref_squeeze %dma_start3A_14 : memref<1x42x128xi32, #tpu.memory_space<hbm>> -> memref<42x128xi32, #tpu.memory_space<hbm>>
    tpu.enqueue_dma source(%dma_start3A_15 : memref<42x128xi32, #tpu.memory_space<hbm>>) target(%dma_start3A_11 : memref<42x128xi32, #tpu.memory_space<vmem>>) target_semaphore(%arg9 : memref<!tpu.dma_semaphore, #tpu.memory_space<semaphore_mem>>)
    %dma_start3A_16 = arith.constant 0 : i32
    %dma_start3A_17 = arith.constant 0 : i32
    %dma_start3A_18 = arith.constant 0 : i32
    %dma_start3A_19 = arith.constant 0 : i32
    %dma_start3A_20 = arith.constant 0 : i32
    %dma_start3A_21 = tpu.memref_slice %arg6[%dma_start3A_17, %dma_start3A_19, %dma_start3A_20] : memref<7x128x128xf32, #tpu.memory_space<vmem>> -> memref<1x128x128xf32, #tpu.memory_space<vmem>>
    %dma_start3A_22 = tpu.memref_squeeze %dma_start3A_21 : memref<1x128x128xf32, #tpu.memory_space<vmem>> -> memref<128x128xf32, #tpu.memory_space<vmem>>
    %dma_start3A_23 = arith.constant 0 : i32
    %dma_start3A_24 = tpu.memref_slice %arg5[%dma_start3A_16, %dma_start3A_23] : memref<50x128xi32, #tpu.memory_space<vmem>> -> memref<1x128xi32, #tpu.memory_space<vmem>>
    %dma_start3A_25 = tpu.memref_squeeze %dma_start3A_24 : memref<1x128xi32, #tpu.memory_space<vmem>> -> memref<128xi32, #tpu.memory_space<vmem>>
    %dma_start3A_26 = arith.constant 0 : i32
    %dma_start3A_27 = arith.constant 0 : i32
    %dma_start3A_28 = tpu.memref_slice %arg3[%dma_start3A_26, %dma_start3A_27] : memref<100000x128xf32, #tpu.memory_space<hbm>> -> memref<100000x128xf32, #tpu.memory_space<hbm>>
    %dma_start3A_29 = tpu.memref_slice %arg7[%dma_start3A_18] : memref<7x!tpu.dma_semaphore, #tpu.memory_space<semaphore_mem>> -> memref<1x!tpu.dma_semaphore, #tpu.memory_space<semaphore_mem>>
    %dma_start3A_30 = tpu.memref_squeeze %dma_start3A_29 : memref<1x!tpu.dma_semaphore, #tpu.memory_space<semaphore_mem>> -> memref<!tpu.dma_semaphore, #tpu.memory_space<semaphore_mem>>
    tpu.enqueue_indirect_dma source(%dma_start3A_28 : memref<100000x128xf32, #tpu.memory_space<hbm>>) target(%dma_start3A_22 : memref<128x128xf32, #tpu.memory_space<vmem>>) offsets(%dma_start3A_25 : memref<128xi32, #tpu.memory_space<vmem>>) semaphore(%dma_start3A_30 : memref<!tpu.dma_semaphore, #tpu.memory_space<semaphore_mem>>)
    %dma_start3A_31 = arith.constant 1 : i32
    %dma_start3A_32 = arith.constant 1 : i32
    %dma_start3A_33 = arith.constant 1 : i32
    %dma_start3A_34 = arith.constant 0 : i32
    %dma_start3A_35 = arith.constant 0 : i32
    %dma_start3A_36 = tpu.memref_slice %arg6[%dma_start3A_32, %dma_start3A_34, %dma_start3A_35] : memref<7x128x128xf32, #tpu.memory_space<vmem>> -> memref<1x128x128xf32, #tpu.memory_space<vmem>>
    %dma_start3A_37 = tpu.memref_squeeze %dma_start3A_36 : memref<1x128x128xf32, #tpu.memory_space<vmem>> -> memref<128x128xf32, #tpu.memory_space<vmem>>
    %dma_start3A_38 = arith.constant 0 : i32
    %dma_start3A_39 = tpu.memref_slice %arg5[%dma_start3A_31, %dma_start3A_38] : memref<50x128xi32, #tpu.memory_space<vmem>> -> memref<1x128xi32, #tpu.memory_space<vmem>>
    %dma_start3A_40 = tpu.memref_squeeze %dma_start3A_39 : memref<1x128xi32, #tpu.memory_space<vmem>> -> memref<128xi32, #tpu.memory_space<vmem>>
    %dma_start3A_41 = arith.constant 0 : i32
    %dma_start3A_42 = arith.constant 0 : i32
    %dma_start3A_43 = tpu.memref_slice %arg3[%dma_start3A_41, %dma_start3A_42] : memref<100000x128xf32, #tpu.memory_space<hbm>> -> memref<100000x128xf32, #tpu.memory_space<hbm>>
    %dma_start3A_44 = tpu.memref_slice %arg7[%dma_start3A_33] : memref<7x!tpu.dma_semaphore, #tpu.memory_space<semaphore_mem>> -> memref<1x!tpu.dma_semaphore, #tpu.memory_space<semaphore_mem>>
    %dma_start3A_45 = tpu.memref_squeeze %dma_start3A_44 : memref<1x!tpu.dma_semaphore, #tpu.memory_space<semaphore_mem>> -> memref<!tpu.dma_semaphore, #tpu.memory_space<semaphore_mem>>
    tpu.enqueue_indirect_dma source(%dma_start3A_43 : memref<100000x128xf32, #tpu.memory_space<hbm>>) target(%dma_start3A_37 : memref<128x128xf32, #tpu.memory_space<vmem>>) offsets(%dma_start3A_40 : memref<128xi32, #tpu.memory_space<vmem>>) semaphore(%dma_start3A_45 : memref<!tpu.dma_semaphore, #tpu.memory_space<semaphore_mem>>)
    %dma_start3A_46 = arith.constant 2 : i32
    %dma_start3A_47 = arith.constant 2 : i32
    %dma_start3A_48 = arith.constant 2 : i32
    %dma_start3A_49 = arith.constant 0 : i32
    %dma_start3A_50 = arith.constant 0 : i32
    %dma_start3A_51 = tpu.memref_slice %arg6[%dma_start3A_47, %dma_start3A_49, %dma_start3A_50] : memref<7x128x128xf32, #tpu.memory_space<vmem>> -> memref<1x128x128xf32, #tpu.memory_space<vmem>>
    %dma_start3A_52 = tpu.memref_squeeze %dma_start3A_51 : memref<1x128x128xf32, #tpu.memory_space<vmem>> -> memref<128x128xf32, #tpu.memory_space<vmem>>
    %dma_start3A_53 = arith.constant 0 : i32
    %dma_start3A_54 = tpu.memref_slice %arg5[%dma_start3A_46, %dma_start3A_53] : memref<50x128xi32, #tpu.memory_space<vmem>> -> memref<1x128xi32, #tpu.memory_space<vmem>>
    %dma_start3A_55 = tpu.memref_squeeze %dma_start3A_54 : memref<1x128xi32, #tpu.memory_space<vmem>> -> memref<128xi32, #tpu.memory_space<vmem>>
    %dma_start3A_56 = arith.constant 0 : i32
    %dma_start3A_57 = arith.constant 0 : i32
    %dma_start3A_58 = tpu.memref_slice %arg3[%dma_start3A_56, %dma_start3A_57] : memref<100000x128xf32, #tpu.memory_space<hbm>> -> memref<100000x128xf32, #tpu.memory_space<hbm>>
    %dma_start3A_59 = tpu.memref_slice %arg7[%dma_start3A_48] : memref<7x!tpu.dma_semaphore, #tpu.memory_space<semaphore_mem>> -> memref<1x!tpu.dma_semaphore, #tpu.memory_space<semaphore_mem>>
    %dma_start3A_60 = tpu.memref_squeeze %dma_start3A_59 : memref<1x!tpu.dma_semaphore, #tpu.memory_space<semaphore_mem>> -> memref<!tpu.dma_semaphore, #tpu.memory_space<semaphore_mem>>
    tpu.enqueue_indirect_dma source(%dma_start3A_58 : memref<100000x128xf32, #tpu.memory_space<hbm>>) target(%dma_start3A_52 : memref<128x128xf32, #tpu.memory_space<vmem>>) offsets(%dma_start3A_55 : memref<128xi32, #tpu.memory_space<vmem>>) semaphore(%dma_start3A_60 : memref<!tpu.dma_semaphore, #tpu.memory_space<semaphore_mem>>)
    %dma_start3A_61 = arith.constant 3 : i32
    %dma_start3A_62 = arith.constant 3 : i32
    %dma_start3A_63 = arith.constant 3 : i32
    %dma_start3A_64 = arith.constant 0 : i32
    %dma_start3A_65 = arith.constant 0 : i32
    %dma_start3A_66 = tpu.memref_slice %arg6[%dma_start3A_62, %dma_start3A_64, %dma_start3A_65] : memref<7x128x128xf32, #tpu.memory_space<vmem>> -> memref<1x128x128xf32, #tpu.memory_space<vmem>>
    %dma_start3A_67 = tpu.memref_squeeze %dma_start3A_66 : memref<1x128x128xf32, #tpu.memory_space<vmem>> -> memref<128x128xf32, #tpu.memory_space<vmem>>
    %dma_start3A_68 = arith.constant 0 : i32
    %dma_start3A_69 = tpu.memref_slice %arg5[%dma_start3A_61, %dma_start3A_68] : memref<50x128xi32, #tpu.memory_space<vmem>> -> memref<1x128xi32, #tpu.memory_space<vmem>>
    %dma_start3A_70 = tpu.memref_squeeze %dma_start3A_69 : memref<1x128xi32, #tpu.memory_space<vmem>> -> memref<128xi32, #tpu.memory_space<vmem>>
    %dma_start3A_71 = arith.constant 0 : i32
    %dma_start3A_72 = arith.constant 0 : i32
    %dma_start3A_73 = tpu.memref_slice %arg3[%dma_start3A_71, %dma_start3A_72] : memref<100000x128xf32, #tpu.memory_space<hbm>> -> memref<100000x128xf32, #tpu.memory_space<hbm>>
    %dma_start3A_74 = tpu.memref_slice %arg7[%dma_start3A_63] : memref<7x!tpu.dma_semaphore, #tpu.memory_space<semaphore_mem>> -> memref<1x!tpu.dma_semaphore, #tpu.memory_space<semaphore_mem>>
    %dma_start3A_75 = tpu.memref_squeeze %dma_start3A_74 : memref<1x!tpu.dma_semaphore, #tpu.memory_space<semaphore_mem>> -> memref<!tpu.dma_semaphore, #tpu.memory_space<semaphore_mem>>
    tpu.enqueue_indirect_dma source(%dma_start3A_73 : memref<100000x128xf32, #tpu.memory_space<hbm>>) target(%dma_start3A_67 : memref<128x128xf32, #tpu.memory_space<vmem>>) offsets(%dma_start3A_70 : memref<128xi32, #tpu.memory_space<vmem>>) semaphore(%dma_start3A_75 : memref<!tpu.dma_semaphore, #tpu.memory_space<semaphore_mem>>)
    %dma_start3A_76 = arith.constant 4 : i32
    %dma_start3A_77 = arith.constant 4 : i32
    %dma_start3A_78 = arith.constant 4 : i32
    %dma_start3A_79 = arith.constant 0 : i32
    %dma_start3A_80 = arith.constant 0 : i32
    %dma_start3A_81 = tpu.memref_slice %arg6[%dma_start3A_77, %dma_start3A_79, %dma_start3A_80] : memref<7x128x128xf32, #tpu.memory_space<vmem>> -> memref<1x128x128xf32, #tpu.memory_space<vmem>>
    %dma_start3A_82 = tpu.memref_squeeze %dma_start3A_81 : memref<1x128x128xf32, #tpu.memory_space<vmem>> -> memref<128x128xf32, #tpu.memory_space<vmem>>
    %dma_start3A_83 = arith.constant 0 : i32
    %dma_start3A_84 = tpu.memref_slice %arg5[%dma_start3A_76, %dma_start3A_83] : memref<50x128xi32, #tpu.memory_space<vmem>> -> memref<1x128xi32, #tpu.memory_space<vmem>>
    %dma_start3A_85 = tpu.memref_squeeze %dma_start3A_84 : memref<1x128xi32, #tpu.memory_space<vmem>> -> memref<128xi32, #tpu.memory_space<vmem>>
    %dma_start3A_86 = arith.constant 0 : i32
    %dma_start3A_87 = arith.constant 0 : i32
    %dma_start3A_88 = tpu.memref_slice %arg3[%dma_start3A_86, %dma_start3A_87] : memref<100000x128xf32, #tpu.memory_space<hbm>> -> memref<100000x128xf32, #tpu.memory_space<hbm>>
    %dma_start3A_89 = tpu.memref_slice %arg7[%dma_start3A_78] : memref<7x!tpu.dma_semaphore, #tpu.memory_space<semaphore_mem>> -> memref<1x!tpu.dma_semaphore, #tpu.memory_space<semaphore_mem>>
    %dma_start3A_90 = tpu.memref_squeeze %dma_start3A_89 : memref<1x!tpu.dma_semaphore, #tpu.memory_space<semaphore_mem>> -> memref<!tpu.dma_semaphore, #tpu.memory_space<semaphore_mem>>
    tpu.enqueue_indirect_dma source(%dma_start3A_88 : memref<100000x128xf32, #tpu.memory_space<hbm>>) target(%dma_start3A_82 : memref<128x128xf32, #tpu.memory_space<vmem>>) offsets(%dma_start3A_85 : memref<128xi32, #tpu.memory_space<vmem>>) semaphore(%dma_start3A_90 : memref<!tpu.dma_semaphore, #tpu.memory_space<semaphore_mem>>)
    %dma_start3A_91 = arith.constant 5 : i32
    %dma_start3A_92 = arith.constant 5 : i32
    %dma_start3A_93 = arith.constant 5 : i32
    %dma_start3A_94 = arith.constant 0 : i32
    %dma_start3A_95 = arith.constant 0 : i32
    %dma_start3A_96 = tpu.memref_slice %arg6[%dma_start3A_92, %dma_start3A_94, %dma_start3A_95] : memref<7x128x128xf32, #tpu.memory_space<vmem>> -> memref<1x128x128xf32, #tpu.memory_space<vmem>>
    %dma_start3A_97 = tpu.memref_squeeze %dma_start3A_96 : memref<1x128x128xf32, #tpu.memory_space<vmem>> -> memref<128x128xf32, #tpu.memory_space<vmem>>
    %dma_start3A_98 = arith.constant 0 : i32
    %dma_start3A_99 = tpu.memref_slice %arg5[%dma_start3A_91, %dma_start3A_98] : memref<50x128xi32, #tpu.memory_space<vmem>> -> memref<1x128xi32, #tpu.memory_space<vmem>>
    %dma_start3A_100 = tpu.memref_squeeze %dma_start3A_99 : memref<1x128xi32, #tpu.memory_space<vmem>> -> memref<128xi32, #tpu.memory_space<vmem>>
    %dma_start3A_101 = arith.constant 0 : i32
    %dma_start3A_102 = arith.constant 0 : i32
    %dma_start3A_103 = tpu.memref_slice %arg3[%dma_start3A_101, %dma_start3A_102] : memref<100000x128xf32, #tpu.memory_space<hbm>> -> memref<100000x128xf32, #tpu.memory_space<hbm>>
    %dma_start3A_104 = tpu.memref_slice %arg7[%dma_start3A_93] : memref<7x!tpu.dma_semaphore, #tpu.memory_space<semaphore_mem>> -> memref<1x!tpu.dma_semaphore, #tpu.memory_space<semaphore_mem>>
    %dma_start3A_105 = tpu.memref_squeeze %dma_start3A_104 : memref<1x!tpu.dma_semaphore, #tpu.memory_space<semaphore_mem>> -> memref<!tpu.dma_semaphore, #tpu.memory_space<semaphore_mem>>
    tpu.enqueue_indirect_dma source(%dma_start3A_103 : memref<100000x128xf32, #tpu.memory_space<hbm>>) target(%dma_start3A_97 : memref<128x128xf32, #tpu.memory_space<vmem>>) offsets(%dma_start3A_100 : memref<128xi32, #tpu.memory_space<vmem>>) semaphore(%dma_start3A_105 : memref<!tpu.dma_semaphore, #tpu.memory_space<semaphore_mem>>)
    %dma_start3A_106 = arith.constant 6 : i32
    %dma_start3A_107 = arith.constant 6 : i32
    %dma_start3A_108 = arith.constant 6 : i32
    %dma_start3A_109 = arith.constant 0 : i32
    %dma_start3A_110 = arith.constant 0 : i32
    %dma_start3A_111 = tpu.memref_slice %arg6[%dma_start3A_107, %dma_start3A_109, %dma_start3A_110] : memref<7x128x128xf32, #tpu.memory_space<vmem>> -> memref<1x128x128xf32, #tpu.memory_space<vmem>>
    %dma_start3A_112 = tpu.memref_squeeze %dma_start3A_111 : memref<1x128x128xf32, #tpu.memory_space<vmem>> -> memref<128x128xf32, #tpu.memory_space<vmem>>
    %dma_start3A_113 = arith.constant 0 : i32
    %dma_start3A_114 = tpu.memref_slice %arg5[%dma_start3A_106, %dma_start3A_113] : memref<50x128xi32, #tpu.memory_space<vmem>> -> memref<1x128xi32, #tpu.memory_space<vmem>>
    %dma_start3A_115 = tpu.memref_squeeze %dma_start3A_114 : memref<1x128xi32, #tpu.memory_space<vmem>> -> memref<128xi32, #tpu.memory_space<vmem>>
    %dma_start3A_116 = arith.constant 0 : i32
    %dma_start3A_117 = arith.constant 0 : i32
    %dma_start3A_118 = tpu.memref_slice %arg3[%dma_start3A_116, %dma_start3A_117] : memref<100000x128xf32, #tpu.memory_space<hbm>> -> memref<100000x128xf32, #tpu.memory_space<hbm>>
    %dma_start3A_119 = tpu.memref_slice %arg7[%dma_start3A_108] : memref<7x!tpu.dma_semaphore, #tpu.memory_space<semaphore_mem>> -> memref<1x!tpu.dma_semaphore, #tpu.memory_space<semaphore_mem>>
    %dma_start3A_120 = tpu.memref_squeeze %dma_start3A_119 : memref<1x!tpu.dma_semaphore, #tpu.memory_space<semaphore_mem>> -> memref<!tpu.dma_semaphore, #tpu.memory_space<semaphore_mem>>
    tpu.enqueue_indirect_dma source(%dma_start3A_118 : memref<100000x128xf32, #tpu.memory_space<hbm>>) target(%dma_start3A_112 : memref<128x128xf32, #tpu.memory_space<vmem>>) offsets(%dma_start3A_115 : memref<128xi32, #tpu.memory_space<vmem>>) semaphore(%dma_start3A_120 : memref<!tpu.dma_semaphore, #tpu.memory_space<semaphore_mem>>)
    %dma_wait3A = arith.constant 8 : i32
    %dma_wait3A_121 = arith.constant 0 : i32
    %dma_wait3A_122 = tpu.memref_slice %arg5[%dma_wait3A, %dma_wait3A_121] : memref<50x128xi32, #tpu.memory_space<vmem>> -> memref<42x128xi32, #tpu.memory_space<vmem>>
    %dma_wait3A_123 = arith.constant 8 : i32
    %dma_wait3A_124 = arith.constant 0 : i32
    %dma_wait3A_125 = tpu.memref_slice %arg2[%add3A, %dma_wait3A_123, %dma_wait3A_124] : memref<32x50x128xi32, #tpu.memory_space<hbm>> -> memref<1x42x128xi32, #tpu.memory_space<hbm>>
    %dma_wait3A_126 = tpu.memref_squeeze %dma_wait3A_125 : memref<1x42x128xi32, #tpu.memory_space<hbm>> -> memref<42x128xi32, #tpu.memory_space<hbm>>
    %dma_wait3A_127 = arith.constant 8 : i32
    %dma_wait3A_128 = arith.constant 0 : i32
    %dma_wait3A_129 = tpu.memref_slice %arg5[%dma_wait3A_127, %dma_wait3A_128] : memref<50x128xi32, #tpu.memory_space<vmem>> -> memref<42x128xi32, #tpu.memory_space<vmem>>
    %dma_wait3A_130 = arith.constant 8 : i32
    %dma_wait3A_131 = arith.constant 0 : i32
    %dma_wait3A_132 = tpu.memref_slice %arg2[%add3A, %dma_wait3A_130, %dma_wait3A_131] : memref<32x50x128xi32, #tpu.memory_space<hbm>> -> memref<1x42x128xi32, #tpu.memory_space<hbm>>
    %dma_wait3A_133 = tpu.memref_squeeze %dma_wait3A_132 : memref<1x42x128xi32, #tpu.memory_space<hbm>> -> memref<42x128xi32, #tpu.memory_space<hbm>>
    tpu.wait_dma2 semaphore(%arg9 : memref<!tpu.dma_semaphore, #tpu.memory_space<semaphore_mem>>) src(%dma_wait3A_133 : memref<42x128xi32, #tpu.memory_space<hbm>>) dst(%dma_wait3A_129 : memref<42x128xi32, #tpu.memory_space<vmem>>)
    %scan3A = arith.constant 0 : i32
    %scan3A_134 = arith.constant 0 : i32
    %scan3A_135 = arith.constant 7 : i32
    %scan3A_136 = arith.addi %scan3A_134, %scan3A_135 : i32
    %scan3A_137 = arith.constant 1 : i32
    scf.for %scan3A_298 = %scan3A_134 to %scan3A_136 step %scan3A_137  : i32 {
      %mul3A_299 = arith.constant 7 : i32
      %mul3A_300 = arith.muli %scan3A_298, %mul3A_299 : i32
      %add3A_301 = arith.constant 0 : i32
      %add3A_302 = arith.addi %mul3A_300, %add3A_301 : i32
      %dma_wait3A_303 = arith.constant 0 : i32
      %dma_wait3A_304 = arith.constant 0 : i32
      %dma_wait3A_305 = arith.constant 0 : i32
      %dma_wait3A_306 = arith.constant 0 : i32
      %dma_wait3A_307 = tpu.memref_slice %arg6[%dma_wait3A_303, %dma_wait3A_305, %dma_wait3A_306] : memref<7x128x128xf32, #tpu.memory_space<vmem>> -> memref<1x128x128xf32, #tpu.memory_space<vmem>>
      %dma_wait3A_308 = tpu.memref_squeeze %dma_wait3A_307 : memref<1x128x128xf32, #tpu.memory_space<vmem>> -> memref<128x128xf32, #tpu.memory_space<vmem>>
      %dma_wait3A_309 = arith.constant 0 : i32
      %dma_wait3A_310 = tpu.memref_slice %arg5[%add3A_302, %dma_wait3A_309] : memref<50x128xi32, #tpu.memory_space<vmem>> -> memref<1x128xi32, #tpu.memory_space<vmem>>
      %dma_wait3A_311 = tpu.memref_squeeze %dma_wait3A_310 : memref<1x128xi32, #tpu.memory_space<vmem>> -> memref<128xi32, #tpu.memory_space<vmem>>
      %dma_wait3A_312 = arith.constant 0 : i32
      %dma_wait3A_313 = arith.constant 0 : i32
      %dma_wait3A_314 = tpu.memref_slice %arg3[%dma_wait3A_312, %dma_wait3A_313] : memref<100000x128xf32, #tpu.memory_space<hbm>> -> memref<100000x128xf32, #tpu.memory_space<hbm>>
      %dma_wait3A_315 = tpu.memref_slice %arg7[%dma_wait3A_304] : memref<7x!tpu.dma_semaphore, #tpu.memory_space<semaphore_mem>> -> memref<1x!tpu.dma_semaphore, #tpu.memory_space<semaphore_mem>>
      %dma_wait3A_316 = tpu.memref_squeeze %dma_wait3A_315 : memref<1x!tpu.dma_semaphore, #tpu.memory_space<semaphore_mem>> -> memref<!tpu.dma_semaphore, #tpu.memory_space<semaphore_mem>>
      tpu.wait_indirect_dma semaphore(%dma_wait3A_316 : memref<!tpu.dma_semaphore, #tpu.memory_space<semaphore_mem>>) src(%dma_wait3A_314 : memref<100000x128xf32, #tpu.memory_space<hbm>>) dst(%dma_wait3A_308 : memref<128x128xf32, #tpu.memory_space<vmem>>)
      %mul3A_317 = arith.constant 128 : i32
      %mul3A_318 = arith.muli %add3A_302, %mul3A_317 : i32
      %add3A_319 = arith.addi %mul3A_2, %mul3A_318 : i32
      %dma_start3A_320 = arith.constant 0 : i32
      %dma_start3A_321 = arith.constant 0 : i32
      %dma_start3A_322 = arith.constant 0 : i32
      %dma_start3A_323 = arith.constant 0 : i32
      %dma_start3A_324 = tpu.memref_slice %arg6[%dma_start3A_320, %dma_start3A_322, %dma_start3A_323] : memref<7x128x128xf32, #tpu.memory_space<vmem>> -> memref<1x128x128xf32, #tpu.memory_space<vmem>>
      %dma_start3A_325 = tpu.memref_squeeze %dma_start3A_324 : memref<1x128x128xf32, #tpu.memory_space<vmem>> -> memref<128x128xf32, #tpu.memory_space<vmem>>
      %dma_start3A_326 = arith.constant 0 : i32
      %dma_start3A_327 = tpu.memref_slice %arg4[%add3A_319, %dma_start3A_326] : memref<204800x128xf32, #tpu.memory_space<hbm>> -> memref<128x128xf32, #tpu.memory_space<hbm>>
      %dma_start3A_328 = tpu.memref_slice %arg8[%dma_start3A_321] : memref<7x!tpu.dma_semaphore, #tpu.memory_space<semaphore_mem>> -> memref<1x!tpu.dma_semaphore, #tpu.memory_space<semaphore_mem>>
      %dma_start3A_329 = tpu.memref_squeeze %dma_start3A_328 : memref<1x!tpu.dma_semaphore, #tpu.memory_space<semaphore_mem>> -> memref<!tpu.dma_semaphore, #tpu.memory_space<semaphore_mem>>
      %dma_start3A_330 = arith.constant 0 : i32
      %dma_start3A_331 = tpu.memref_slice %arg4[%add3A_319, %dma_start3A_330] : memref<204800x128xf32, #tpu.memory_space<hbm>> -> memref<128x128xf32, #tpu.memory_space<hbm>>
      %dma_start3A_332 = arith.constant 0 : i32
      %dma_start3A_333 = arith.constant 0 : i32
      %dma_start3A_334 = tpu.memref_slice %arg6[%dma_start3A_320, %dma_start3A_332, %dma_start3A_333] : memref<7x128x128xf32, #tpu.memory_space<vmem>> -> memref<1x128x128xf32, #tpu.memory_space<vmem>>
      %dma_start3A_335 = tpu.memref_squeeze %dma_start3A_334 : memref<1x128x128xf32, #tpu.memory_space<vmem>> -> memref<128x128xf32, #tpu.memory_space<vmem>>
      tpu.enqueue_dma source(%dma_start3A_335 : memref<128x128xf32, #tpu.memory_space<vmem>>) target(%dma_start3A_331 : memref<128x128xf32, #tpu.memory_space<hbm>>) target_semaphore(%dma_start3A_329 : memref<!tpu.dma_semaphore, #tpu.memory_space<semaphore_mem>>)
      %add3A_336 = arith.constant 7 : i32
      %add3A_337 = arith.addi %add3A_302, %add3A_336 : i32
      %lt3A = arith.constant 50 : i32
      %lt3A_338 = arith.cmpi slt, %add3A_337, %lt3A : i32
      %convert_element_type3A = arith.extui %lt3A_338 : i1 to i32
      %cond3A = arith.constant 0 : i32
      %cond3A_339 = arith.cmpi ne, %convert_element_type3A, %cond3A : i32
      scf.if %cond3A_339 {
        %mul3A_592 = arith.constant 128 : i32
        %mul3A_593 = arith.muli %add3A_302, %mul3A_592 : i32
        %add3A_594 = arith.addi %mul3A_2, %mul3A_593 : i32
        %dma_wait3A_595 = arith.constant 0 : i32
        %dma_wait3A_596 = arith.constant 0 : i32
        %dma_wait3A_597 = arith.constant 0 : i32
        %dma_wait3A_598 = arith.constant 0 : i32
        %dma_wait3A_599 = tpu.memref_slice %arg6[%dma_wait3A_595, %dma_wait3A_597, %dma_wait3A_598] : memref<7x128x128xf32, #tpu.memory_space<vmem>> -> memref<1x128x128xf32, #tpu.memory_space<vmem>>
        %dma_wait3A_600 = tpu.memref_squeeze %dma_wait3A_599 : memref<1x128x128xf32, #tpu.memory_space<vmem>> -> memref<128x128xf32, #tpu.memory_space<vmem>>
        %dma_wait3A_601 = arith.constant 0 : i32
        %dma_wait3A_602 = tpu.memref_slice %arg4[%add3A_594, %dma_wait3A_601] : memref<204800x128xf32, #tpu.memory_space<hbm>> -> memref<128x128xf32, #tpu.memory_space<hbm>>
        %dma_wait3A_603 = tpu.memref_slice %arg8[%dma_wait3A_596] : memref<7x!tpu.dma_semaphore, #tpu.memory_space<semaphore_mem>> -> memref<1x!tpu.dma_semaphore, #tpu.memory_space<semaphore_mem>>
        %dma_wait3A_604 = tpu.memref_squeeze %dma_wait3A_603 : memref<1x!tpu.dma_semaphore, #tpu.memory_space<semaphore_mem>> -> memref<!tpu.dma_semaphore, #tpu.memory_space<semaphore_mem>>
        %dma_wait3A_605 = arith.constant 0 : i32
        %dma_wait3A_606 = tpu.memref_slice %arg4[%add3A_594, %dma_wait3A_605] : memref<204800x128xf32, #tpu.memory_space<hbm>> -> memref<128x128xf32, #tpu.memory_space<hbm>>
        %dma_wait3A_607 = arith.constant 0 : i32
        %dma_wait3A_608 = arith.constant 0 : i32
        %dma_wait3A_609 = tpu.memref_slice %arg6[%dma_wait3A_595, %dma_wait3A_607, %dma_wait3A_608] : memref<7x128x128xf32, #tpu.memory_space<vmem>> -> memref<1x128x128xf32, #tpu.memory_space<vmem>>
        %dma_wait3A_610 = tpu.memref_squeeze %dma_wait3A_609 : memref<1x128x128xf32, #tpu.memory_space<vmem>> -> memref<128x128xf32, #tpu.memory_space<vmem>>
        tpu.wait_dma2 semaphore(%dma_wait3A_604 : memref<!tpu.dma_semaphore, #tpu.memory_space<semaphore_mem>>) src(%dma_wait3A_610 : memref<128x128xf32, #tpu.memory_space<vmem>>) dst(%dma_wait3A_606 : memref<128x128xf32, #tpu.memory_space<hbm>>)
        %add3A_611 = arith.constant 7 : i32
        %add3A_612 = arith.addi %add3A_302, %add3A_611 : i32
        %dma_start3A_613 = arith.constant 0 : i32
        %dma_start3A_614 = arith.constant 0 : i32
        %dma_start3A_615 = arith.constant 0 : i32
        %dma_start3A_616 = arith.constant 0 : i32
        %dma_start3A_617 = tpu.memref_slice %arg6[%dma_start3A_613, %dma_start3A_615, %dma_start3A_616] : memref<7x128x128xf32, #tpu.memory_space<vmem>> -> memref<1x128x128xf32, #tpu.memory_space<vmem>>
        %dma_start3A_618 = tpu.memref_squeeze %dma_start3A_617 : memref<1x128x128xf32, #tpu.memory_space<vmem>> -> memref<128x128xf32, #tpu.memory_space<vmem>>
        %dma_start3A_619 = arith.constant 0 : i32
        %dma_start3A_620 = tpu.memref_slice %arg5[%add3A_612, %dma_start3A_619] : memref<50x128xi32, #tpu.memory_space<vmem>> -> memref<1x128xi32, #tpu.memory_space<vmem>>
        %dma_start3A_621 = tpu.memref_squeeze %dma_start3A_620 : memref<1x128xi32, #tpu.memory_space<vmem>> -> memref<128xi32, #tpu.memory_space<vmem>>
        %dma_start3A_622 = arith.constant 0 : i32
        %dma_start3A_623 = arith.constant 0 : i32
        %dma_start3A_624 = tpu.memref_slice %arg3[%dma_start3A_622, %dma_start3A_623] : memref<100000x128xf32, #tpu.memory_space<hbm>> -> memref<100000x128xf32, #tpu.memory_space<hbm>>
        %dma_start3A_625 = tpu.memref_slice %arg7[%dma_start3A_614] : memref<7x!tpu.dma_semaphore, #tpu.memory_space<semaphore_mem>> -> memref<1x!tpu.dma_semaphore, #tpu.memory_space<semaphore_mem>>
        %dma_start3A_626 = tpu.memref_squeeze %dma_start3A_625 : memref<1x!tpu.dma_semaphore, #tpu.memory_space<semaphore_mem>> -> memref<!tpu.dma_semaphore, #tpu.memory_space<semaphore_mem>>
        tpu.enqueue_indirect_dma source(%dma_start3A_624 : memref<100000x128xf32, #tpu.memory_space<hbm>>) target(%dma_start3A_618 : memref<128x128xf32, #tpu.memory_space<vmem>>) offsets(%dma_start3A_621 : memref<128xi32, #tpu.memory_space<vmem>>) semaphore(%dma_start3A_626 : memref<!tpu.dma_semaphore, #tpu.memory_space<semaphore_mem>>)
      } else {
      }
      %add3A_340 = arith.constant 1 : i32
      %add3A_341 = arith.addi %mul3A_300, %add3A_340 : i32
      %dma_wait3A_342 = arith.constant 1 : i32
      %dma_wait3A_343 = arith.constant 1 : i32
      %dma_wait3A_344 = arith.constant 0 : i32
      %dma_wait3A_345 = arith.constant 0 : i32
      %dma_wait3A_346 = tpu.memref_slice %arg6[%dma_wait3A_342, %dma_wait3A_344, %dma_wait3A_345] : memref<7x128x128xf32, #tpu.memory_space<vmem>> -> memref<1x128x128xf32, #tpu.memory_space<vmem>>
      %dma_wait3A_347 = tpu.memref_squeeze %dma_wait3A_346 : memref<1x128x128xf32, #tpu.memory_space<vmem>> -> memref<128x128xf32, #tpu.memory_space<vmem>>
      %dma_wait3A_348 = arith.constant 0 : i32
      %dma_wait3A_349 = tpu.memref_slice %arg5[%add3A_341, %dma_wait3A_348] : memref<50x128xi32, #tpu.memory_space<vmem>> -> memref<1x128xi32, #tpu.memory_space<vmem>>
      %dma_wait3A_350 = tpu.memref_squeeze %dma_wait3A_349 : memref<1x128xi32, #tpu.memory_space<vmem>> -> memref<128xi32, #tpu.memory_space<vmem>>
      %dma_wait3A_351 = arith.constant 0 : i32
      %dma_wait3A_352 = arith.constant 0 : i32
      %dma_wait3A_353 = tpu.memref_slice %arg3[%dma_wait3A_351, %dma_wait3A_352] : memref<100000x128xf32, #tpu.memory_space<hbm>> -> memref<100000x128xf32, #tpu.memory_space<hbm>>
      %dma_wait3A_354 = tpu.memref_slice %arg7[%dma_wait3A_343] : memref<7x!tpu.dma_semaphore, #tpu.memory_space<semaphore_mem>> -> memref<1x!tpu.dma_semaphore, #tpu.memory_space<semaphore_mem>>
      %dma_wait3A_355 = tpu.memref_squeeze %dma_wait3A_354 : memref<1x!tpu.dma_semaphore, #tpu.memory_space<semaphore_mem>> -> memref<!tpu.dma_semaphore, #tpu.memory_space<semaphore_mem>>
      tpu.wait_indirect_dma semaphore(%dma_wait3A_355 : memref<!tpu.dma_semaphore, #tpu.memory_space<semaphore_mem>>) src(%dma_wait3A_353 : memref<100000x128xf32, #tpu.memory_space<hbm>>) dst(%dma_wait3A_347 : memref<128x128xf32, #tpu.memory_space<vmem>>)
      %mul3A_356 = arith.constant 128 : i32
      %mul3A_357 = arith.muli %add3A_341, %mul3A_356 : i32
      %add3A_358 = arith.addi %mul3A_2, %mul3A_357 : i32
      %dma_start3A_359 = arith.constant 1 : i32
      %dma_start3A_360 = arith.constant 1 : i32
      %dma_start3A_361 = arith.constant 0 : i32
      %dma_start3A_362 = arith.constant 0 : i32
      %dma_start3A_363 = tpu.memref_slice %arg6[%dma_start3A_359, %dma_start3A_361, %dma_start3A_362] : memref<7x128x128xf32, #tpu.memory_space<vmem>> -> memref<1x128x128xf32, #tpu.memory_space<vmem>>
      %dma_start3A_364 = tpu.memref_squeeze %dma_start3A_363 : memref<1x128x128xf32, #tpu.memory_space<vmem>> -> memref<128x128xf32, #tpu.memory_space<vmem>>
      %dma_start3A_365 = arith.constant 0 : i32
      %dma_start3A_366 = tpu.memref_slice %arg4[%add3A_358, %dma_start3A_365] : memref<204800x128xf32, #tpu.memory_space<hbm>> -> memref<128x128xf32, #tpu.memory_space<hbm>>
      %dma_start3A_367 = tpu.memref_slice %arg8[%dma_start3A_360] : memref<7x!tpu.dma_semaphore, #tpu.memory_space<semaphore_mem>> -> memref<1x!tpu.dma_semaphore, #tpu.memory_space<semaphore_mem>>
      %dma_start3A_368 = tpu.memref_squeeze %dma_start3A_367 : memref<1x!tpu.dma_semaphore, #tpu.memory_space<semaphore_mem>> -> memref<!tpu.dma_semaphore, #tpu.memory_space<semaphore_mem>>
      %dma_start3A_369 = arith.constant 0 : i32
      %dma_start3A_370 = tpu.memref_slice %arg4[%add3A_358, %dma_start3A_369] : memref<204800x128xf32, #tpu.memory_space<hbm>> -> memref<128x128xf32, #tpu.memory_space<hbm>>
      %dma_start3A_371 = arith.constant 0 : i32
      %dma_start3A_372 = arith.constant 0 : i32
      %dma_start3A_373 = tpu.memref_slice %arg6[%dma_start3A_359, %dma_start3A_371, %dma_start3A_372] : memref<7x128x128xf32, #tpu.memory_space<vmem>> -> memref<1x128x128xf32, #tpu.memory_space<vmem>>
      %dma_start3A_374 = tpu.memref_squeeze %dma_start3A_373 : memref<1x128x128xf32, #tpu.memory_space<vmem>> -> memref<128x128xf32, #tpu.memory_space<vmem>>
      tpu.enqueue_dma source(%dma_start3A_374 : memref<128x128xf32, #tpu.memory_space<vmem>>) target(%dma_start3A_370 : memref<128x128xf32, #tpu.memory_space<hbm>>) target_semaphore(%dma_start3A_368 : memref<!tpu.dma_semaphore, #tpu.memory_space<semaphore_mem>>)
      %add3A_375 = arith.constant 7 : i32
      %add3A_376 = arith.addi %add3A_341, %add3A_375 : i32
      %lt3A_377 = arith.constant 50 : i32
      %lt3A_378 = arith.cmpi slt, %add3A_376, %lt3A_377 : i32
      %convert_element_type3A_379 = arith.extui %lt3A_378 : i1 to i32
      %cond3A_380 = arith.constant 0 : i32
      %cond3A_381 = arith.cmpi ne, %convert_element_type3A_379, %cond3A_380 : i32
      scf.if %cond3A_381 {
        %mul3A_592 = arith.constant 128 : i32
        %mul3A_593 = arith.muli %add3A_341, %mul3A_592 : i32
        %add3A_594 = arith.addi %mul3A_2, %mul3A_593 : i32
        %dma_wait3A_595 = arith.constant 1 : i32
        %dma_wait3A_596 = arith.constant 1 : i32
        %dma_wait3A_597 = arith.constant 0 : i32
        %dma_wait3A_598 = arith.constant 0 : i32
        %dma_wait3A_599 = tpu.memref_slice %arg6[%dma_wait3A_595, %dma_wait3A_597, %dma_wait3A_598] : memref<7x128x128xf32, #tpu.memory_space<vmem>> -> memref<1x128x128xf32, #tpu.memory_space<vmem>>
        %dma_wait3A_600 = tpu.memref_squeeze %dma_wait3A_599 : memref<1x128x128xf32, #tpu.memory_space<vmem>> -> memref<128x128xf32, #tpu.memory_space<vmem>>
        %dma_wait3A_601 = arith.constant 0 : i32
        %dma_wait3A_602 = tpu.memref_slice %arg4[%add3A_594, %dma_wait3A_601] : memref<204800x128xf32, #tpu.memory_space<hbm>> -> memref<128x128xf32, #tpu.memory_space<hbm>>
        %dma_wait3A_603 = tpu.memref_slice %arg8[%dma_wait3A_596] : memref<7x!tpu.dma_semaphore, #tpu.memory_space<semaphore_mem>> -> memref<1x!tpu.dma_semaphore, #tpu.memory_space<semaphore_mem>>
        %dma_wait3A_604 = tpu.memref_squeeze %dma_wait3A_603 : memref<1x!tpu.dma_semaphore, #tpu.memory_space<semaphore_mem>> -> memref<!tpu.dma_semaphore, #tpu.memory_space<semaphore_mem>>
        %dma_wait3A_605 = arith.constant 0 : i32
        %dma_wait3A_606 = tpu.memref_slice %arg4[%add3A_594, %dma_wait3A_605] : memref<204800x128xf32, #tpu.memory_space<hbm>> -> memref<128x128xf32, #tpu.memory_space<hbm>>
        %dma_wait3A_607 = arith.constant 0 : i32
        %dma_wait3A_608 = arith.constant 0 : i32
        %dma_wait3A_609 = tpu.memref_slice %arg6[%dma_wait3A_595, %dma_wait3A_607, %dma_wait3A_608] : memref<7x128x128xf32, #tpu.memory_space<vmem>> -> memref<1x128x128xf32, #tpu.memory_space<vmem>>
        %dma_wait3A_610 = tpu.memref_squeeze %dma_wait3A_609 : memref<1x128x128xf32, #tpu.memory_space<vmem>> -> memref<128x128xf32, #tpu.memory_space<vmem>>
        tpu.wait_dma2 semaphore(%dma_wait3A_604 : memref<!tpu.dma_semaphore, #tpu.memory_space<semaphore_mem>>) src(%dma_wait3A_610 : memref<128x128xf32, #tpu.memory_space<vmem>>) dst(%dma_wait3A_606 : memref<128x128xf32, #tpu.memory_space<hbm>>)
        %add3A_611 = arith.constant 7 : i32
        %add3A_612 = arith.addi %add3A_341, %add3A_611 : i32
        %dma_start3A_613 = arith.constant 1 : i32
        %dma_start3A_614 = arith.constant 1 : i32
        %dma_start3A_615 = arith.constant 0 : i32
        %dma_start3A_616 = arith.constant 0 : i32
        %dma_start3A_617 = tpu.memref_slice %arg6[%dma_start3A_613, %dma_start3A_615, %dma_start3A_616] : memref<7x128x128xf32, #tpu.memory_space<vmem>> -> memref<1x128x128xf32, #tpu.memory_space<vmem>>
        %dma_start3A_618 = tpu.memref_squeeze %dma_start3A_617 : memref<1x128x128xf32, #tpu.memory_space<vmem>> -> memref<128x128xf32, #tpu.memory_space<vmem>>
        %dma_start3A_619 = arith.constant 0 : i32
        %dma_start3A_620 = tpu.memref_slice %arg5[%add3A_612, %dma_start3A_619] : memref<50x128xi32, #tpu.memory_space<vmem>> -> memref<1x128xi32, #tpu.memory_space<vmem>>
        %dma_start3A_621 = tpu.memref_squeeze %dma_start3A_620 : memref<1x128xi32, #tpu.memory_space<vmem>> -> memref<128xi32, #tpu.memory_space<vmem>>
        %dma_start3A_622 = arith.constant 0 : i32
        %dma_start3A_623 = arith.constant 0 : i32
        %dma_start3A_624 = tpu.memref_slice %arg3[%dma_start3A_622, %dma_start3A_623] : memref<100000x128xf32, #tpu.memory_space<hbm>> -> memref<100000x128xf32, #tpu.memory_space<hbm>>
        %dma_start3A_625 = tpu.memref_slice %arg7[%dma_start3A_614] : memref<7x!tpu.dma_semaphore, #tpu.memory_space<semaphore_mem>> -> memref<1x!tpu.dma_semaphore, #tpu.memory_space<semaphore_mem>>
        %dma_start3A_626 = tpu.memref_squeeze %dma_start3A_625 : memref<1x!tpu.dma_semaphore, #tpu.memory_space<semaphore_mem>> -> memref<!tpu.dma_semaphore, #tpu.memory_space<semaphore_mem>>
        tpu.enqueue_indirect_dma source(%dma_start3A_624 : memref<100000x128xf32, #tpu.memory_space<hbm>>) target(%dma_start3A_618 : memref<128x128xf32, #tpu.memory_space<vmem>>) offsets(%dma_start3A_621 : memref<128xi32, #tpu.memory_space<vmem>>) semaphore(%dma_start3A_626 : memref<!tpu.dma_semaphore, #tpu.memory_space<semaphore_mem>>)
      } else {
      }
      %add3A_382 = arith.constant 2 : i32
      %add3A_383 = arith.addi %mul3A_300, %add3A_382 : i32
      %dma_wait3A_384 = arith.constant 2 : i32
      %dma_wait3A_385 = arith.constant 2 : i32
      %dma_wait3A_386 = arith.constant 0 : i32
      %dma_wait3A_387 = arith.constant 0 : i32
      %dma_wait3A_388 = tpu.memref_slice %arg6[%dma_wait3A_384, %dma_wait3A_386, %dma_wait3A_387] : memref<7x128x128xf32, #tpu.memory_space<vmem>> -> memref<1x128x128xf32, #tpu.memory_space<vmem>>
      %dma_wait3A_389 = tpu.memref_squeeze %dma_wait3A_388 : memref<1x128x128xf32, #tpu.memory_space<vmem>> -> memref<128x128xf32, #tpu.memory_space<vmem>>
      %dma_wait3A_390 = arith.constant 0 : i32
      %dma_wait3A_391 = tpu.memref_slice %arg5[%add3A_383, %dma_wait3A_390] : memref<50x128xi32, #tpu.memory_space<vmem>> -> memref<1x128xi32, #tpu.memory_space<vmem>>
      %dma_wait3A_392 = tpu.memref_squeeze %dma_wait3A_391 : memref<1x128xi32, #tpu.memory_space<vmem>> -> memref<128xi32, #tpu.memory_space<vmem>>
      %dma_wait3A_393 = arith.constant 0 : i32
      %dma_wait3A_394 = arith.constant 0 : i32
      %dma_wait3A_395 = tpu.memref_slice %arg3[%dma_wait3A_393, %dma_wait3A_394] : memref<100000x128xf32, #tpu.memory_space<hbm>> -> memref<100000x128xf32, #tpu.memory_space<hbm>>
      %dma_wait3A_396 = tpu.memref_slice %arg7[%dma_wait3A_385] : memref<7x!tpu.dma_semaphore, #tpu.memory_space<semaphore_mem>> -> memref<1x!tpu.dma_semaphore, #tpu.memory_space<semaphore_mem>>
      %dma_wait3A_397 = tpu.memref_squeeze %dma_wait3A_396 : memref<1x!tpu.dma_semaphore, #tpu.memory_space<semaphore_mem>> -> memref<!tpu.dma_semaphore, #tpu.memory_space<semaphore_mem>>
      tpu.wait_indirect_dma semaphore(%dma_wait3A_397 : memref<!tpu.dma_semaphore, #tpu.memory_space<semaphore_mem>>) src(%dma_wait3A_395 : memref<100000x128xf32, #tpu.memory_space<hbm>>) dst(%dma_wait3A_389 : memref<128x128xf32, #tpu.memory_space<vmem>>)
      %mul3A_398 = arith.constant 128 : i32
      %mul3A_399 = arith.muli %add3A_383, %mul3A_398 : i32
      %add3A_400 = arith.addi %mul3A_2, %mul3A_399 : i32
      %dma_start3A_401 = arith.constant 2 : i32
      %dma_start3A_402 = arith.constant 2 : i32
      %dma_start3A_403 = arith.constant 0 : i32
      %dma_start3A_404 = arith.constant 0 : i32
      %dma_start3A_405 = tpu.memref_slice %arg6[%dma_start3A_401, %dma_start3A_403, %dma_start3A_404] : memref<7x128x128xf32, #tpu.memory_space<vmem>> -> memref<1x128x128xf32, #tpu.memory_space<vmem>>
      %dma_start3A_406 = tpu.memref_squeeze %dma_start3A_405 : memref<1x128x128xf32, #tpu.memory_space<vmem>> -> memref<128x128xf32, #tpu.memory_space<vmem>>
      %dma_start3A_407 = arith.constant 0 : i32
      %dma_start3A_408 = tpu.memref_slice %arg4[%add3A_400, %dma_start3A_407] : memref<204800x128xf32, #tpu.memory_space<hbm>> -> memref<128x128xf32, #tpu.memory_space<hbm>>
      %dma_start3A_409 = tpu.memref_slice %arg8[%dma_start3A_402] : memref<7x!tpu.dma_semaphore, #tpu.memory_space<semaphore_mem>> -> memref<1x!tpu.dma_semaphore, #tpu.memory_space<semaphore_mem>>
      %dma_start3A_410 = tpu.memref_squeeze %dma_start3A_409 : memref<1x!tpu.dma_semaphore, #tpu.memory_space<semaphore_mem>> -> memref<!tpu.dma_semaphore, #tpu.memory_space<semaphore_mem>>
      %dma_start3A_411 = arith.constant 0 : i32
      %dma_start3A_412 = tpu.memref_slice %arg4[%add3A_400, %dma_start3A_411] : memref<204800x128xf32, #tpu.memory_space<hbm>> -> memref<128x128xf32, #tpu.memory_space<hbm>>
      %dma_start3A_413 = arith.constant 0 : i32
      %dma_start3A_414 = arith.constant 0 : i32
      %dma_start3A_415 = tpu.memref_slice %arg6[%dma_start3A_401, %dma_start3A_413, %dma_start3A_414] : memref<7x128x128xf32, #tpu.memory_space<vmem>> -> memref<1x128x128xf32, #tpu.memory_space<vmem>>
      %dma_start3A_416 = tpu.memref_squeeze %dma_start3A_415 : memref<1x128x128xf32, #tpu.memory_space<vmem>> -> memref<128x128xf32, #tpu.memory_space<vmem>>
      tpu.enqueue_dma source(%dma_start3A_416 : memref<128x128xf32, #tpu.memory_space<vmem>>) target(%dma_start3A_412 : memref<128x128xf32, #tpu.memory_space<hbm>>) target_semaphore(%dma_start3A_410 : memref<!tpu.dma_semaphore, #tpu.memory_space<semaphore_mem>>)
      %add3A_417 = arith.constant 7 : i32
      %add3A_418 = arith.addi %add3A_383, %add3A_417 : i32
      %lt3A_419 = arith.constant 50 : i32
      %lt3A_420 = arith.cmpi slt, %add3A_418, %lt3A_419 : i32
      %convert_element_type3A_421 = arith.extui %lt3A_420 : i1 to i32
      %cond3A_422 = arith.constant 0 : i32
      %cond3A_423 = arith.cmpi ne, %convert_element_type3A_421, %cond3A_422 : i32
      scf.if %cond3A_423 {
        %mul3A_592 = arith.constant 128 : i32
        %mul3A_593 = arith.muli %add3A_383, %mul3A_592 : i32
        %add3A_594 = arith.addi %mul3A_2, %mul3A_593 : i32
        %dma_wait3A_595 = arith.constant 2 : i32
        %dma_wait3A_596 = arith.constant 2 : i32
        %dma_wait3A_597 = arith.constant 0 : i32
        %dma_wait3A_598 = arith.constant 0 : i32
        %dma_wait3A_599 = tpu.memref_slice %arg6[%dma_wait3A_595, %dma_wait3A_597, %dma_wait3A_598] : memref<7x128x128xf32, #tpu.memory_space<vmem>> -> memref<1x128x128xf32, #tpu.memory_space<vmem>>
        %dma_wait3A_600 = tpu.memref_squeeze %dma_wait3A_599 : memref<1x128x128xf32, #tpu.memory_space<vmem>> -> memref<128x128xf32, #tpu.memory_space<vmem>>
        %dma_wait3A_601 = arith.constant 0 : i32
        %dma_wait3A_602 = tpu.memref_slice %arg4[%add3A_594, %dma_wait3A_601] : memref<204800x128xf32, #tpu.memory_space<hbm>> -> memref<128x128xf32, #tpu.memory_space<hbm>>
        %dma_wait3A_603 = tpu.memref_slice %arg8[%dma_wait3A_596] : memref<7x!tpu.dma_semaphore, #tpu.memory_space<semaphore_mem>> -> memref<1x!tpu.dma_semaphore, #tpu.memory_space<semaphore_mem>>
        %dma_wait3A_604 = tpu.memref_squeeze %dma_wait3A_603 : memref<1x!tpu.dma_semaphore, #tpu.memory_space<semaphore_mem>> -> memref<!tpu.dma_semaphore, #tpu.memory_space<semaphore_mem>>
        %dma_wait3A_605 = arith.constant 0 : i32
        %dma_wait3A_606 = tpu.memref_slice %arg4[%add3A_594, %dma_wait3A_605] : memref<204800x128xf32, #tpu.memory_space<hbm>> -> memref<128x128xf32, #tpu.memory_space<hbm>>
        %dma_wait3A_607 = arith.constant 0 : i32
        %dma_wait3A_608 = arith.constant 0 : i32
        %dma_wait3A_609 = tpu.memref_slice %arg6[%dma_wait3A_595, %dma_wait3A_607, %dma_wait3A_608] : memref<7x128x128xf32, #tpu.memory_space<vmem>> -> memref<1x128x128xf32, #tpu.memory_space<vmem>>
        %dma_wait3A_610 = tpu.memref_squeeze %dma_wait3A_609 : memref<1x128x128xf32, #tpu.memory_space<vmem>> -> memref<128x128xf32, #tpu.memory_space<vmem>>
        tpu.wait_dma2 semaphore(%dma_wait3A_604 : memref<!tpu.dma_semaphore, #tpu.memory_space<semaphore_mem>>) src(%dma_wait3A_610 : memref<128x128xf32, #tpu.memory_space<vmem>>) dst(%dma_wait3A_606 : memref<128x128xf32, #tpu.memory_space<hbm>>)
        %add3A_611 = arith.constant 7 : i32
        %add3A_612 = arith.addi %add3A_383, %add3A_611 : i32
        %dma_start3A_613 = arith.constant 2 : i32
        %dma_start3A_614 = arith.constant 2 : i32
        %dma_start3A_615 = arith.constant 0 : i32
        %dma_start3A_616 = arith.constant 0 : i32
        %dma_start3A_617 = tpu.memref_slice %arg6[%dma_start3A_613, %dma_start3A_615, %dma_start3A_616] : memref<7x128x128xf32, #tpu.memory_space<vmem>> -> memref<1x128x128xf32, #tpu.memory_space<vmem>>
        %dma_start3A_618 = tpu.memref_squeeze %dma_start3A_617 : memref<1x128x128xf32, #tpu.memory_space<vmem>> -> memref<128x128xf32, #tpu.memory_space<vmem>>
        %dma_start3A_619 = arith.constant 0 : i32
        %dma_start3A_620 = tpu.memref_slice %arg5[%add3A_612, %dma_start3A_619] : memref<50x128xi32, #tpu.memory_space<vmem>> -> memref<1x128xi32, #tpu.memory_space<vmem>>
        %dma_start3A_621 = tpu.memref_squeeze %dma_start3A_620 : memref<1x128xi32, #tpu.memory_space<vmem>> -> memref<128xi32, #tpu.memory_space<vmem>>
        %dma_start3A_622 = arith.constant 0 : i32
        %dma_start3A_623 = arith.constant 0 : i32
        %dma_start3A_624 = tpu.memref_slice %arg3[%dma_start3A_622, %dma_start3A_623] : memref<100000x128xf32, #tpu.memory_space<hbm>> -> memref<100000x128xf32, #tpu.memory_space<hbm>>
        %dma_start3A_625 = tpu.memref_slice %arg7[%dma_start3A_614] : memref<7x!tpu.dma_semaphore, #tpu.memory_space<semaphore_mem>> -> memref<1x!tpu.dma_semaphore, #tpu.memory_space<semaphore_mem>>
        %dma_start3A_626 = tpu.memref_squeeze %dma_start3A_625 : memref<1x!tpu.dma_semaphore, #tpu.memory_space<semaphore_mem>> -> memref<!tpu.dma_semaphore, #tpu.memory_space<semaphore_mem>>
        tpu.enqueue_indirect_dma source(%dma_start3A_624 : memref<100000x128xf32, #tpu.memory_space<hbm>>) target(%dma_start3A_618 : memref<128x128xf32, #tpu.memory_space<vmem>>) offsets(%dma_start3A_621 : memref<128xi32, #tpu.memory_space<vmem>>) semaphore(%dma_start3A_626 : memref<!tpu.dma_semaphore, #tpu.memory_space<semaphore_mem>>)
      } else {
      }
      %add3A_424 = arith.constant 3 : i32
      %add3A_425 = arith.addi %mul3A_300, %add3A_424 : i32
      %dma_wait3A_426 = arith.constant 3 : i32
      %dma_wait3A_427 = arith.constant 3 : i32
      %dma_wait3A_428 = arith.constant 0 : i32
      %dma_wait3A_429 = arith.constant 0 : i32
      %dma_wait3A_430 = tpu.memref_slice %arg6[%dma_wait3A_426, %dma_wait3A_428, %dma_wait3A_429] : memref<7x128x128xf32, #tpu.memory_space<vmem>> -> memref<1x128x128xf32, #tpu.memory_space<vmem>>
      %dma_wait3A_431 = tpu.memref_squeeze %dma_wait3A_430 : memref<1x128x128xf32, #tpu.memory_space<vmem>> -> memref<128x128xf32, #tpu.memory_space<vmem>>
      %dma_wait3A_432 = arith.constant 0 : i32
      %dma_wait3A_433 = tpu.memref_slice %arg5[%add3A_425, %dma_wait3A_432] : memref<50x128xi32, #tpu.memory_space<vmem>> -> memref<1x128xi32, #tpu.memory_space<vmem>>
      %dma_wait3A_434 = tpu.memref_squeeze %dma_wait3A_433 : memref<1x128xi32, #tpu.memory_space<vmem>> -> memref<128xi32, #tpu.memory_space<vmem>>
      %dma_wait3A_435 = arith.constant 0 : i32
      %dma_wait3A_436 = arith.constant 0 : i32
      %dma_wait3A_437 = tpu.memref_slice %arg3[%dma_wait3A_435, %dma_wait3A_436] : memref<100000x128xf32, #tpu.memory_space<hbm>> -> memref<100000x128xf32, #tpu.memory_space<hbm>>
      %dma_wait3A_438 = tpu.memref_slice %arg7[%dma_wait3A_427] : memref<7x!tpu.dma_semaphore, #tpu.memory_space<semaphore_mem>> -> memref<1x!tpu.dma_semaphore, #tpu.memory_space<semaphore_mem>>
      %dma_wait3A_439 = tpu.memref_squeeze %dma_wait3A_438 : memref<1x!tpu.dma_semaphore, #tpu.memory_space<semaphore_mem>> -> memref<!tpu.dma_semaphore, #tpu.memory_space<semaphore_mem>>
      tpu.wait_indirect_dma semaphore(%dma_wait3A_439 : memref<!tpu.dma_semaphore, #tpu.memory_space<semaphore_mem>>) src(%dma_wait3A_437 : memref<100000x128xf32, #tpu.memory_space<hbm>>) dst(%dma_wait3A_431 : memref<128x128xf32, #tpu.memory_space<vmem>>)
      %mul3A_440 = arith.constant 128 : i32
      %mul3A_441 = arith.muli %add3A_425, %mul3A_440 : i32
      %add3A_442 = arith.addi %mul3A_2, %mul3A_441 : i32
      %dma_start3A_443 = arith.constant 3 : i32
      %dma_start3A_444 = arith.constant 3 : i32
      %dma_start3A_445 = arith.constant 0 : i32
      %dma_start3A_446 = arith.constant 0 : i32
      %dma_start3A_447 = tpu.memref_slice %arg6[%dma_start3A_443, %dma_start3A_445, %dma_start3A_446] : memref<7x128x128xf32, #tpu.memory_space<vmem>> -> memref<1x128x128xf32, #tpu.memory_space<vmem>>
      %dma_start3A_448 = tpu.memref_squeeze %dma_start3A_447 : memref<1x128x128xf32, #tpu.memory_space<vmem>> -> memref<128x128xf32, #tpu.memory_space<vmem>>
      %dma_start3A_449 = arith.constant 0 : i32
      %dma_start3A_450 = tpu.memref_slice %arg4[%add3A_442, %dma_start3A_449] : memref<204800x128xf32, #tpu.memory_space<hbm>> -> memref<128x128xf32, #tpu.memory_space<hbm>>
      %dma_start3A_451 = tpu.memref_slice %arg8[%dma_start3A_444] : memref<7x!tpu.dma_semaphore, #tpu.memory_space<semaphore_mem>> -> memref<1x!tpu.dma_semaphore, #tpu.memory_space<semaphore_mem>>
      %dma_start3A_452 = tpu.memref_squeeze %dma_start3A_451 : memref<1x!tpu.dma_semaphore, #tpu.memory_space<semaphore_mem>> -> memref<!tpu.dma_semaphore, #tpu.memory_space<semaphore_mem>>
      %dma_start3A_453 = arith.constant 0 : i32
      %dma_start3A_454 = tpu.memref_slice %arg4[%add3A_442, %dma_start3A_453] : memref<204800x128xf32, #tpu.memory_space<hbm>> -> memref<128x128xf32, #tpu.memory_space<hbm>>
      %dma_start3A_455 = arith.constant 0 : i32
      %dma_start3A_456 = arith.constant 0 : i32
      %dma_start3A_457 = tpu.memref_slice %arg6[%dma_start3A_443, %dma_start3A_455, %dma_start3A_456] : memref<7x128x128xf32, #tpu.memory_space<vmem>> -> memref<1x128x128xf32, #tpu.memory_space<vmem>>
      %dma_start3A_458 = tpu.memref_squeeze %dma_start3A_457 : memref<1x128x128xf32, #tpu.memory_space<vmem>> -> memref<128x128xf32, #tpu.memory_space<vmem>>
      tpu.enqueue_dma source(%dma_start3A_458 : memref<128x128xf32, #tpu.memory_space<vmem>>) target(%dma_start3A_454 : memref<128x128xf32, #tpu.memory_space<hbm>>) target_semaphore(%dma_start3A_452 : memref<!tpu.dma_semaphore, #tpu.memory_space<semaphore_mem>>)
      %add3A_459 = arith.constant 7 : i32
      %add3A_460 = arith.addi %add3A_425, %add3A_459 : i32
      %lt3A_461 = arith.constant 50 : i32
      %lt3A_462 = arith.cmpi slt, %add3A_460, %lt3A_461 : i32
      %convert_element_type3A_463 = arith.extui %lt3A_462 : i1 to i32
      %cond3A_464 = arith.constant 0 : i32
      %cond3A_465 = arith.cmpi ne, %convert_element_type3A_463, %cond3A_464 : i32
      scf.if %cond3A_465 {
        %mul3A_592 = arith.constant 128 : i32
        %mul3A_593 = arith.muli %add3A_425, %mul3A_592 : i32
        %add3A_594 = arith.addi %mul3A_2, %mul3A_593 : i32
        %dma_wait3A_595 = arith.constant 3 : i32
        %dma_wait3A_596 = arith.constant 3 : i32
        %dma_wait3A_597 = arith.constant 0 : i32
        %dma_wait3A_598 = arith.constant 0 : i32
        %dma_wait3A_599 = tpu.memref_slice %arg6[%dma_wait3A_595, %dma_wait3A_597, %dma_wait3A_598] : memref<7x128x128xf32, #tpu.memory_space<vmem>> -> memref<1x128x128xf32, #tpu.memory_space<vmem>>
        %dma_wait3A_600 = tpu.memref_squeeze %dma_wait3A_599 : memref<1x128x128xf32, #tpu.memory_space<vmem>> -> memref<128x128xf32, #tpu.memory_space<vmem>>
        %dma_wait3A_601 = arith.constant 0 : i32
        %dma_wait3A_602 = tpu.memref_slice %arg4[%add3A_594, %dma_wait3A_601] : memref<204800x128xf32, #tpu.memory_space<hbm>> -> memref<128x128xf32, #tpu.memory_space<hbm>>
        %dma_wait3A_603 = tpu.memref_slice %arg8[%dma_wait3A_596] : memref<7x!tpu.dma_semaphore, #tpu.memory_space<semaphore_mem>> -> memref<1x!tpu.dma_semaphore, #tpu.memory_space<semaphore_mem>>
        %dma_wait3A_604 = tpu.memref_squeeze %dma_wait3A_603 : memref<1x!tpu.dma_semaphore, #tpu.memory_space<semaphore_mem>> -> memref<!tpu.dma_semaphore, #tpu.memory_space<semaphore_mem>>
        %dma_wait3A_605 = arith.constant 0 : i32
        %dma_wait3A_606 = tpu.memref_slice %arg4[%add3A_594, %dma_wait3A_605] : memref<204800x128xf32, #tpu.memory_space<hbm>> -> memref<128x128xf32, #tpu.memory_space<hbm>>
        %dma_wait3A_607 = arith.constant 0 : i32
        %dma_wait3A_608 = arith.constant 0 : i32
        %dma_wait3A_609 = tpu.memref_slice %arg6[%dma_wait3A_595, %dma_wait3A_607, %dma_wait3A_608] : memref<7x128x128xf32, #tpu.memory_space<vmem>> -> memref<1x128x128xf32, #tpu.memory_space<vmem>>
        %dma_wait3A_610 = tpu.memref_squeeze %dma_wait3A_609 : memref<1x128x128xf32, #tpu.memory_space<vmem>> -> memref<128x128xf32, #tpu.memory_space<vmem>>
        tpu.wait_dma2 semaphore(%dma_wait3A_604 : memref<!tpu.dma_semaphore, #tpu.memory_space<semaphore_mem>>) src(%dma_wait3A_610 : memref<128x128xf32, #tpu.memory_space<vmem>>) dst(%dma_wait3A_606 : memref<128x128xf32, #tpu.memory_space<hbm>>)
        %add3A_611 = arith.constant 7 : i32
        %add3A_612 = arith.addi %add3A_425, %add3A_611 : i32
        %dma_start3A_613 = arith.constant 3 : i32
        %dma_start3A_614 = arith.constant 3 : i32
        %dma_start3A_615 = arith.constant 0 : i32
        %dma_start3A_616 = arith.constant 0 : i32
        %dma_start3A_617 = tpu.memref_slice %arg6[%dma_start3A_613, %dma_start3A_615, %dma_start3A_616] : memref<7x128x128xf32, #tpu.memory_space<vmem>> -> memref<1x128x128xf32, #tpu.memory_space<vmem>>
        %dma_start3A_618 = tpu.memref_squeeze %dma_start3A_617 : memref<1x128x128xf32, #tpu.memory_space<vmem>> -> memref<128x128xf32, #tpu.memory_space<vmem>>
        %dma_start3A_619 = arith.constant 0 : i32
        %dma_start3A_620 = tpu.memref_slice %arg5[%add3A_612, %dma_start3A_619] : memref<50x128xi32, #tpu.memory_space<vmem>> -> memref<1x128xi32, #tpu.memory_space<vmem>>
        %dma_start3A_621 = tpu.memref_squeeze %dma_start3A_620 : memref<1x128xi32, #tpu.memory_space<vmem>> -> memref<128xi32, #tpu.memory_space<vmem>>
        %dma_start3A_622 = arith.constant 0 : i32
        %dma_start3A_623 = arith.constant 0 : i32
        %dma_start3A_624 = tpu.memref_slice %arg3[%dma_start3A_622, %dma_start3A_623] : memref<100000x128xf32, #tpu.memory_space<hbm>> -> memref<100000x128xf32, #tpu.memory_space<hbm>>
        %dma_start3A_625 = tpu.memref_slice %arg7[%dma_start3A_614] : memref<7x!tpu.dma_semaphore, #tpu.memory_space<semaphore_mem>> -> memref<1x!tpu.dma_semaphore, #tpu.memory_space<semaphore_mem>>
        %dma_start3A_626 = tpu.memref_squeeze %dma_start3A_625 : memref<1x!tpu.dma_semaphore, #tpu.memory_space<semaphore_mem>> -> memref<!tpu.dma_semaphore, #tpu.memory_space<semaphore_mem>>
        tpu.enqueue_indirect_dma source(%dma_start3A_624 : memref<100000x128xf32, #tpu.memory_space<hbm>>) target(%dma_start3A_618 : memref<128x128xf32, #tpu.memory_space<vmem>>) offsets(%dma_start3A_621 : memref<128xi32, #tpu.memory_space<vmem>>) semaphore(%dma_start3A_626 : memref<!tpu.dma_semaphore, #tpu.memory_space<semaphore_mem>>)
      } else {
      }
      %add3A_466 = arith.constant 4 : i32
      %add3A_467 = arith.addi %mul3A_300, %add3A_466 : i32
      %dma_wait3A_468 = arith.constant 4 : i32
      %dma_wait3A_469 = arith.constant 4 : i32
      %dma_wait3A_470 = arith.constant 0 : i32
      %dma_wait3A_471 = arith.constant 0 : i32
      %dma_wait3A_472 = tpu.memref_slice %arg6[%dma_wait3A_468, %dma_wait3A_470, %dma_wait3A_471] : memref<7x128x128xf32, #tpu.memory_space<vmem>> -> memref<1x128x128xf32, #tpu.memory_space<vmem>>
      %dma_wait3A_473 = tpu.memref_squeeze %dma_wait3A_472 : memref<1x128x128xf32, #tpu.memory_space<vmem>> -> memref<128x128xf32, #tpu.memory_space<vmem>>
      %dma_wait3A_474 = arith.constant 0 : i32
      %dma_wait3A_475 = tpu.memref_slice %arg5[%add3A_467, %dma_wait3A_474] : memref<50x128xi32, #tpu.memory_space<vmem>> -> memref<1x128xi32, #tpu.memory_space<vmem>>
      %dma_wait3A_476 = tpu.memref_squeeze %dma_wait3A_475 : memref<1x128xi32, #tpu.memory_space<vmem>> -> memref<128xi32, #tpu.memory_space<vmem>>
      %dma_wait3A_477 = arith.constant 0 : i32
      %dma_wait3A_478 = arith.constant 0 : i32
      %dma_wait3A_479 = tpu.memref_slice %arg3[%dma_wait3A_477, %dma_wait3A_478] : memref<100000x128xf32, #tpu.memory_space<hbm>> -> memref<100000x128xf32, #tpu.memory_space<hbm>>
      %dma_wait3A_480 = tpu.memref_slice %arg7[%dma_wait3A_469] : memref<7x!tpu.dma_semaphore, #tpu.memory_space<semaphore_mem>> -> memref<1x!tpu.dma_semaphore, #tpu.memory_space<semaphore_mem>>
      %dma_wait3A_481 = tpu.memref_squeeze %dma_wait3A_480 : memref<1x!tpu.dma_semaphore, #tpu.memory_space<semaphore_mem>> -> memref<!tpu.dma_semaphore, #tpu.memory_space<semaphore_mem>>
      tpu.wait_indirect_dma semaphore(%dma_wait3A_481 : memref<!tpu.dma_semaphore, #tpu.memory_space<semaphore_mem>>) src(%dma_wait3A_479 : memref<100000x128xf32, #tpu.memory_space<hbm>>) dst(%dma_wait3A_473 : memref<128x128xf32, #tpu.memory_space<vmem>>)
      %mul3A_482 = arith.constant 128 : i32
      %mul3A_483 = arith.muli %add3A_467, %mul3A_482 : i32
      %add3A_484 = arith.addi %mul3A_2, %mul3A_483 : i32
      %dma_start3A_485 = arith.constant 4 : i32
      %dma_start3A_486 = arith.constant 4 : i32
      %dma_start3A_487 = arith.constant 0 : i32
      %dma_start3A_488 = arith.constant 0 : i32
      %dma_start3A_489 = tpu.memref_slice %arg6[%dma_start3A_485, %dma_start3A_487, %dma_start3A_488] : memref<7x128x128xf32, #tpu.memory_space<vmem>> -> memref<1x128x128xf32, #tpu.memory_space<vmem>>
      %dma_start3A_490 = tpu.memref_squeeze %dma_start3A_489 : memref<1x128x128xf32, #tpu.memory_space<vmem>> -> memref<128x128xf32, #tpu.memory_space<vmem>>
      %dma_start3A_491 = arith.constant 0 : i32
      %dma_start3A_492 = tpu.memref_slice %arg4[%add3A_484, %dma_start3A_491] : memref<204800x128xf32, #tpu.memory_space<hbm>> -> memref<128x128xf32, #tpu.memory_space<hbm>>
      %dma_start3A_493 = tpu.memref_slice %arg8[%dma_start3A_486] : memref<7x!tpu.dma_semaphore, #tpu.memory_space<semaphore_mem>> -> memref<1x!tpu.dma_semaphore, #tpu.memory_space<semaphore_mem>>
      %dma_start3A_494 = tpu.memref_squeeze %dma_start3A_493 : memref<1x!tpu.dma_semaphore, #tpu.memory_space<semaphore_mem>> -> memref<!tpu.dma_semaphore, #tpu.memory_space<semaphore_mem>>
      %dma_start3A_495 = arith.constant 0 : i32
      %dma_start3A_496 = tpu.memref_slice %arg4[%add3A_484, %dma_start3A_495] : memref<204800x128xf32, #tpu.memory_space<hbm>> -> memref<128x128xf32, #tpu.memory_space<hbm>>
      %dma_start3A_497 = arith.constant 0 : i32
      %dma_start3A_498 = arith.constant 0 : i32
      %dma_start3A_499 = tpu.memref_slice %arg6[%dma_start3A_485, %dma_start3A_497, %dma_start3A_498] : memref<7x128x128xf32, #tpu.memory_space<vmem>> -> memref<1x128x128xf32, #tpu.memory_space<vmem>>
      %dma_start3A_500 = tpu.memref_squeeze %dma_start3A_499 : memref<1x128x128xf32, #tpu.memory_space<vmem>> -> memref<128x128xf32, #tpu.memory_space<vmem>>
      tpu.enqueue_dma source(%dma_start3A_500 : memref<128x128xf32, #tpu.memory_space<vmem>>) target(%dma_start3A_496 : memref<128x128xf32, #tpu.memory_space<hbm>>) target_semaphore(%dma_start3A_494 : memref<!tpu.dma_semaphore, #tpu.memory_space<semaphore_mem>>)
      %add3A_501 = arith.constant 7 : i32
      %add3A_502 = arith.addi %add3A_467, %add3A_501 : i32
      %lt3A_503 = arith.constant 50 : i32
      %lt3A_504 = arith.cmpi slt, %add3A_502, %lt3A_503 : i32
      %convert_element_type3A_505 = arith.extui %lt3A_504 : i1 to i32
      %cond3A_506 = arith.constant 0 : i32
      %cond3A_507 = arith.cmpi ne, %convert_element_type3A_505, %cond3A_506 : i32
      scf.if %cond3A_507 {
        %mul3A_592 = arith.constant 128 : i32
        %mul3A_593 = arith.muli %add3A_467, %mul3A_592 : i32
        %add3A_594 = arith.addi %mul3A_2, %mul3A_593 : i32
        %dma_wait3A_595 = arith.constant 4 : i32
        %dma_wait3A_596 = arith.constant 4 : i32
        %dma_wait3A_597 = arith.constant 0 : i32
        %dma_wait3A_598 = arith.constant 0 : i32
        %dma_wait3A_599 = tpu.memref_slice %arg6[%dma_wait3A_595, %dma_wait3A_597, %dma_wait3A_598] : memref<7x128x128xf32, #tpu.memory_space<vmem>> -> memref<1x128x128xf32, #tpu.memory_space<vmem>>
        %dma_wait3A_600 = tpu.memref_squeeze %dma_wait3A_599 : memref<1x128x128xf32, #tpu.memory_space<vmem>> -> memref<128x128xf32, #tpu.memory_space<vmem>>
        %dma_wait3A_601 = arith.constant 0 : i32
        %dma_wait3A_602 = tpu.memref_slice %arg4[%add3A_594, %dma_wait3A_601] : memref<204800x128xf32, #tpu.memory_space<hbm>> -> memref<128x128xf32, #tpu.memory_space<hbm>>
        %dma_wait3A_603 = tpu.memref_slice %arg8[%dma_wait3A_596] : memref<7x!tpu.dma_semaphore, #tpu.memory_space<semaphore_mem>> -> memref<1x!tpu.dma_semaphore, #tpu.memory_space<semaphore_mem>>
        %dma_wait3A_604 = tpu.memref_squeeze %dma_wait3A_603 : memref<1x!tpu.dma_semaphore, #tpu.memory_space<semaphore_mem>> -> memref<!tpu.dma_semaphore, #tpu.memory_space<semaphore_mem>>
        %dma_wait3A_605 = arith.constant 0 : i32
        %dma_wait3A_606 = tpu.memref_slice %arg4[%add3A_594, %dma_wait3A_605] : memref<204800x128xf32, #tpu.memory_space<hbm>> -> memref<128x128xf32, #tpu.memory_space<hbm>>
        %dma_wait3A_607 = arith.constant 0 : i32
        %dma_wait3A_608 = arith.constant 0 : i32
        %dma_wait3A_609 = tpu.memref_slice %arg6[%dma_wait3A_595, %dma_wait3A_607, %dma_wait3A_608] : memref<7x128x128xf32, #tpu.memory_space<vmem>> -> memref<1x128x128xf32, #tpu.memory_space<vmem>>
        %dma_wait3A_610 = tpu.memref_squeeze %dma_wait3A_609 : memref<1x128x128xf32, #tpu.memory_space<vmem>> -> memref<128x128xf32, #tpu.memory_space<vmem>>
        tpu.wait_dma2 semaphore(%dma_wait3A_604 : memref<!tpu.dma_semaphore, #tpu.memory_space<semaphore_mem>>) src(%dma_wait3A_610 : memref<128x128xf32, #tpu.memory_space<vmem>>) dst(%dma_wait3A_606 : memref<128x128xf32, #tpu.memory_space<hbm>>)
        %add3A_611 = arith.constant 7 : i32
        %add3A_612 = arith.addi %add3A_467, %add3A_611 : i32
        %dma_start3A_613 = arith.constant 4 : i32
        %dma_start3A_614 = arith.constant 4 : i32
        %dma_start3A_615 = arith.constant 0 : i32
        %dma_start3A_616 = arith.constant 0 : i32
        %dma_start3A_617 = tpu.memref_slice %arg6[%dma_start3A_613, %dma_start3A_615, %dma_start3A_616] : memref<7x128x128xf32, #tpu.memory_space<vmem>> -> memref<1x128x128xf32, #tpu.memory_space<vmem>>
        %dma_start3A_618 = tpu.memref_squeeze %dma_start3A_617 : memref<1x128x128xf32, #tpu.memory_space<vmem>> -> memref<128x128xf32, #tpu.memory_space<vmem>>
        %dma_start3A_619 = arith.constant 0 : i32
        %dma_start3A_620 = tpu.memref_slice %arg5[%add3A_612, %dma_start3A_619] : memref<50x128xi32, #tpu.memory_space<vmem>> -> memref<1x128xi32, #tpu.memory_space<vmem>>
        %dma_start3A_621 = tpu.memref_squeeze %dma_start3A_620 : memref<1x128xi32, #tpu.memory_space<vmem>> -> memref<128xi32, #tpu.memory_space<vmem>>
        %dma_start3A_622 = arith.constant 0 : i32
        %dma_start3A_623 = arith.constant 0 : i32
        %dma_start3A_624 = tpu.memref_slice %arg3[%dma_start3A_622, %dma_start3A_623] : memref<100000x128xf32, #tpu.memory_space<hbm>> -> memref<100000x128xf32, #tpu.memory_space<hbm>>
        %dma_start3A_625 = tpu.memref_slice %arg7[%dma_start3A_614] : memref<7x!tpu.dma_semaphore, #tpu.memory_space<semaphore_mem>> -> memref<1x!tpu.dma_semaphore, #tpu.memory_space<semaphore_mem>>
        %dma_start3A_626 = tpu.memref_squeeze %dma_start3A_625 : memref<1x!tpu.dma_semaphore, #tpu.memory_space<semaphore_mem>> -> memref<!tpu.dma_semaphore, #tpu.memory_space<semaphore_mem>>
        tpu.enqueue_indirect_dma source(%dma_start3A_624 : memref<100000x128xf32, #tpu.memory_space<hbm>>) target(%dma_start3A_618 : memref<128x128xf32, #tpu.memory_space<vmem>>) offsets(%dma_start3A_621 : memref<128xi32, #tpu.memory_space<vmem>>) semaphore(%dma_start3A_626 : memref<!tpu.dma_semaphore, #tpu.memory_space<semaphore_mem>>)
      } else {
      }
      %add3A_508 = arith.constant 5 : i32
      %add3A_509 = arith.addi %mul3A_300, %add3A_508 : i32
      %dma_wait3A_510 = arith.constant 5 : i32
      %dma_wait3A_511 = arith.constant 5 : i32
      %dma_wait3A_512 = arith.constant 0 : i32
      %dma_wait3A_513 = arith.constant 0 : i32
      %dma_wait3A_514 = tpu.memref_slice %arg6[%dma_wait3A_510, %dma_wait3A_512, %dma_wait3A_513] : memref<7x128x128xf32, #tpu.memory_space<vmem>> -> memref<1x128x128xf32, #tpu.memory_space<vmem>>
      %dma_wait3A_515 = tpu.memref_squeeze %dma_wait3A_514 : memref<1x128x128xf32, #tpu.memory_space<vmem>> -> memref<128x128xf32, #tpu.memory_space<vmem>>
      %dma_wait3A_516 = arith.constant 0 : i32
      %dma_wait3A_517 = tpu.memref_slice %arg5[%add3A_509, %dma_wait3A_516] : memref<50x128xi32, #tpu.memory_space<vmem>> -> memref<1x128xi32, #tpu.memory_space<vmem>>
      %dma_wait3A_518 = tpu.memref_squeeze %dma_wait3A_517 : memref<1x128xi32, #tpu.memory_space<vmem>> -> memref<128xi32, #tpu.memory_space<vmem>>
      %dma_wait3A_519 = arith.constant 0 : i32
      %dma_wait3A_520 = arith.constant 0 : i32
      %dma_wait3A_521 = tpu.memref_slice %arg3[%dma_wait3A_519, %dma_wait3A_520] : memref<100000x128xf32, #tpu.memory_space<hbm>> -> memref<100000x128xf32, #tpu.memory_space<hbm>>
      %dma_wait3A_522 = tpu.memref_slice %arg7[%dma_wait3A_511] : memref<7x!tpu.dma_semaphore, #tpu.memory_space<semaphore_mem>> -> memref<1x!tpu.dma_semaphore, #tpu.memory_space<semaphore_mem>>
      %dma_wait3A_523 = tpu.memref_squeeze %dma_wait3A_522 : memref<1x!tpu.dma_semaphore, #tpu.memory_space<semaphore_mem>> -> memref<!tpu.dma_semaphore, #tpu.memory_space<semaphore_mem>>
      tpu.wait_indirect_dma semaphore(%dma_wait3A_523 : memref<!tpu.dma_semaphore, #tpu.memory_space<semaphore_mem>>) src(%dma_wait3A_521 : memref<100000x128xf32, #tpu.memory_space<hbm>>) dst(%dma_wait3A_515 : memref<128x128xf32, #tpu.memory_space<vmem>>)
      %mul3A_524 = arith.constant 128 : i32
      %mul3A_525 = arith.muli %add3A_509, %mul3A_524 : i32
      %add3A_526 = arith.addi %mul3A_2, %mul3A_525 : i32
      %dma_start3A_527 = arith.constant 5 : i32
      %dma_start3A_528 = arith.constant 5 : i32
      %dma_start3A_529 = arith.constant 0 : i32
      %dma_start3A_530 = arith.constant 0 : i32
      %dma_start3A_531 = tpu.memref_slice %arg6[%dma_start3A_527, %dma_start3A_529, %dma_start3A_530] : memref<7x128x128xf32, #tpu.memory_space<vmem>> -> memref<1x128x128xf32, #tpu.memory_space<vmem>>
      %dma_start3A_532 = tpu.memref_squeeze %dma_start3A_531 : memref<1x128x128xf32, #tpu.memory_space<vmem>> -> memref<128x128xf32, #tpu.memory_space<vmem>>
      %dma_start3A_533 = arith.constant 0 : i32
      %dma_start3A_534 = tpu.memref_slice %arg4[%add3A_526, %dma_start3A_533] : memref<204800x128xf32, #tpu.memory_space<hbm>> -> memref<128x128xf32, #tpu.memory_space<hbm>>
      %dma_start3A_535 = tpu.memref_slice %arg8[%dma_start3A_528] : memref<7x!tpu.dma_semaphore, #tpu.memory_space<semaphore_mem>> -> memref<1x!tpu.dma_semaphore, #tpu.memory_space<semaphore_mem>>
      %dma_start3A_536 = tpu.memref_squeeze %dma_start3A_535 : memref<1x!tpu.dma_semaphore, #tpu.memory_space<semaphore_mem>> -> memref<!tpu.dma_semaphore, #tpu.memory_space<semaphore_mem>>
      %dma_start3A_537 = arith.constant 0 : i32
      %dma_start3A_538 = tpu.memref_slice %arg4[%add3A_526, %dma_start3A_537] : memref<204800x128xf32, #tpu.memory_space<hbm>> -> memref<128x128xf32, #tpu.memory_space<hbm>>
      %dma_start3A_539 = arith.constant 0 : i32
      %dma_start3A_540 = arith.constant 0 : i32
      %dma_start3A_541 = tpu.memref_slice %arg6[%dma_start3A_527, %dma_start3A_539, %dma_start3A_540] : memref<7x128x128xf32, #tpu.memory_space<vmem>> -> memref<1x128x128xf32, #tpu.memory_space<vmem>>
      %dma_start3A_542 = tpu.memref_squeeze %dma_start3A_541 : memref<1x128x128xf32, #tpu.memory_space<vmem>> -> memref<128x128xf32, #tpu.memory_space<vmem>>
      tpu.enqueue_dma source(%dma_start3A_542 : memref<128x128xf32, #tpu.memory_space<vmem>>) target(%dma_start3A_538 : memref<128x128xf32, #tpu.memory_space<hbm>>) target_semaphore(%dma_start3A_536 : memref<!tpu.dma_semaphore, #tpu.memory_space<semaphore_mem>>)
      %add3A_543 = arith.constant 7 : i32
      %add3A_544 = arith.addi %add3A_509, %add3A_543 : i32
      %lt3A_545 = arith.constant 50 : i32
      %lt3A_546 = arith.cmpi slt, %add3A_544, %lt3A_545 : i32
      %convert_element_type3A_547 = arith.extui %lt3A_546 : i1 to i32
      %cond3A_548 = arith.constant 0 : i32
      %cond3A_549 = arith.cmpi ne, %convert_element_type3A_547, %cond3A_548 : i32
      scf.if %cond3A_549 {
        %mul3A_592 = arith.constant 128 : i32
        %mul3A_593 = arith.muli %add3A_509, %mul3A_592 : i32
        %add3A_594 = arith.addi %mul3A_2, %mul3A_593 : i32
        %dma_wait3A_595 = arith.constant 5 : i32
        %dma_wait3A_596 = arith.constant 5 : i32
        %dma_wait3A_597 = arith.constant 0 : i32
        %dma_wait3A_598 = arith.constant 0 : i32
        %dma_wait3A_599 = tpu.memref_slice %arg6[%dma_wait3A_595, %dma_wait3A_597, %dma_wait3A_598] : memref<7x128x128xf32, #tpu.memory_space<vmem>> -> memref<1x128x128xf32, #tpu.memory_space<vmem>>
        %dma_wait3A_600 = tpu.memref_squeeze %dma_wait3A_599 : memref<1x128x128xf32, #tpu.memory_space<vmem>> -> memref<128x128xf32, #tpu.memory_space<vmem>>
        %dma_wait3A_601 = arith.constant 0 : i32
        %dma_wait3A_602 = tpu.memref_slice %arg4[%add3A_594, %dma_wait3A_601] : memref<204800x128xf32, #tpu.memory_space<hbm>> -> memref<128x128xf32, #tpu.memory_space<hbm>>
        %dma_wait3A_603 = tpu.memref_slice %arg8[%dma_wait3A_596] : memref<7x!tpu.dma_semaphore, #tpu.memory_space<semaphore_mem>> -> memref<1x!tpu.dma_semaphore, #tpu.memory_space<semaphore_mem>>
        %dma_wait3A_604 = tpu.memref_squeeze %dma_wait3A_603 : memref<1x!tpu.dma_semaphore, #tpu.memory_space<semaphore_mem>> -> memref<!tpu.dma_semaphore, #tpu.memory_space<semaphore_mem>>
        %dma_wait3A_605 = arith.constant 0 : i32
        %dma_wait3A_606 = tpu.memref_slice %arg4[%add3A_594, %dma_wait3A_605] : memref<204800x128xf32, #tpu.memory_space<hbm>> -> memref<128x128xf32, #tpu.memory_space<hbm>>
        %dma_wait3A_607 = arith.constant 0 : i32
        %dma_wait3A_608 = arith.constant 0 : i32
        %dma_wait3A_609 = tpu.memref_slice %arg6[%dma_wait3A_595, %dma_wait3A_607, %dma_wait3A_608] : memref<7x128x128xf32, #tpu.memory_space<vmem>> -> memref<1x128x128xf32, #tpu.memory_space<vmem>>
        %dma_wait3A_610 = tpu.memref_squeeze %dma_wait3A_609 : memref<1x128x128xf32, #tpu.memory_space<vmem>> -> memref<128x128xf32, #tpu.memory_space<vmem>>
        tpu.wait_dma2 semaphore(%dma_wait3A_604 : memref<!tpu.dma_semaphore, #tpu.memory_space<semaphore_mem>>) src(%dma_wait3A_610 : memref<128x128xf32, #tpu.memory_space<vmem>>) dst(%dma_wait3A_606 : memref<128x128xf32, #tpu.memory_space<hbm>>)
        %add3A_611 = arith.constant 7 : i32
        %add3A_612 = arith.addi %add3A_509, %add3A_611 : i32
        %dma_start3A_613 = arith.constant 5 : i32
        %dma_start3A_614 = arith.constant 5 : i32
        %dma_start3A_615 = arith.constant 0 : i32
        %dma_start3A_616 = arith.constant 0 : i32
        %dma_start3A_617 = tpu.memref_slice %arg6[%dma_start3A_613, %dma_start3A_615, %dma_start3A_616] : memref<7x128x128xf32, #tpu.memory_space<vmem>> -> memref<1x128x128xf32, #tpu.memory_space<vmem>>
        %dma_start3A_618 = tpu.memref_squeeze %dma_start3A_617 : memref<1x128x128xf32, #tpu.memory_space<vmem>> -> memref<128x128xf32, #tpu.memory_space<vmem>>
        %dma_start3A_619 = arith.constant 0 : i32
        %dma_start3A_620 = tpu.memref_slice %arg5[%add3A_612, %dma_start3A_619] : memref<50x128xi32, #tpu.memory_space<vmem>> -> memref<1x128xi32, #tpu.memory_space<vmem>>
        %dma_start3A_621 = tpu.memref_squeeze %dma_start3A_620 : memref<1x128xi32, #tpu.memory_space<vmem>> -> memref<128xi32, #tpu.memory_space<vmem>>
        %dma_start3A_622 = arith.constant 0 : i32
        %dma_start3A_623 = arith.constant 0 : i32
        %dma_start3A_624 = tpu.memref_slice %arg3[%dma_start3A_622, %dma_start3A_623] : memref<100000x128xf32, #tpu.memory_space<hbm>> -> memref<100000x128xf32, #tpu.memory_space<hbm>>
        %dma_start3A_625 = tpu.memref_slice %arg7[%dma_start3A_614] : memref<7x!tpu.dma_semaphore, #tpu.memory_space<semaphore_mem>> -> memref<1x!tpu.dma_semaphore, #tpu.memory_space<semaphore_mem>>
        %dma_start3A_626 = tpu.memref_squeeze %dma_start3A_625 : memref<1x!tpu.dma_semaphore, #tpu.memory_space<semaphore_mem>> -> memref<!tpu.dma_semaphore, #tpu.memory_space<semaphore_mem>>
        tpu.enqueue_indirect_dma source(%dma_start3A_624 : memref<100000x128xf32, #tpu.memory_space<hbm>>) target(%dma_start3A_618 : memref<128x128xf32, #tpu.memory_space<vmem>>) offsets(%dma_start3A_621 : memref<128xi32, #tpu.memory_space<vmem>>) semaphore(%dma_start3A_626 : memref<!tpu.dma_semaphore, #tpu.memory_space<semaphore_mem>>)
      } else {
      }
      %add3A_550 = arith.constant 6 : i32
      %add3A_551 = arith.addi %mul3A_300, %add3A_550 : i32
      %dma_wait3A_552 = arith.constant 6 : i32
      %dma_wait3A_553 = arith.constant 6 : i32
      %dma_wait3A_554 = arith.constant 0 : i32
      %dma_wait3A_555 = arith.constant 0 : i32
      %dma_wait3A_556 = tpu.memref_slice %arg6[%dma_wait3A_552, %dma_wait3A_554, %dma_wait3A_555] : memref<7x128x128xf32, #tpu.memory_space<vmem>> -> memref<1x128x128xf32, #tpu.memory_space<vmem>>
      %dma_wait3A_557 = tpu.memref_squeeze %dma_wait3A_556 : memref<1x128x128xf32, #tpu.memory_space<vmem>> -> memref<128x128xf32, #tpu.memory_space<vmem>>
      %dma_wait3A_558 = arith.constant 0 : i32
      %dma_wait3A_559 = tpu.memref_slice %arg5[%add3A_551, %dma_wait3A_558] : memref<50x128xi32, #tpu.memory_space<vmem>> -> memref<1x128xi32, #tpu.memory_space<vmem>>
      %dma_wait3A_560 = tpu.memref_squeeze %dma_wait3A_559 : memref<1x128xi32, #tpu.memory_space<vmem>> -> memref<128xi32, #tpu.memory_space<vmem>>
      %dma_wait3A_561 = arith.constant 0 : i32
      %dma_wait3A_562 = arith.constant 0 : i32
      %dma_wait3A_563 = tpu.memref_slice %arg3[%dma_wait3A_561, %dma_wait3A_562] : memref<100000x128xf32, #tpu.memory_space<hbm>> -> memref<100000x128xf32, #tpu.memory_space<hbm>>
      %dma_wait3A_564 = tpu.memref_slice %arg7[%dma_wait3A_553] : memref<7x!tpu.dma_semaphore, #tpu.memory_space<semaphore_mem>> -> memref<1x!tpu.dma_semaphore, #tpu.memory_space<semaphore_mem>>
      %dma_wait3A_565 = tpu.memref_squeeze %dma_wait3A_564 : memref<1x!tpu.dma_semaphore, #tpu.memory_space<semaphore_mem>> -> memref<!tpu.dma_semaphore, #tpu.memory_space<semaphore_mem>>
      tpu.wait_indirect_dma semaphore(%dma_wait3A_565 : memref<!tpu.dma_semaphore, #tpu.memory_space<semaphore_mem>>) src(%dma_wait3A_563 : memref<100000x128xf32, #tpu.memory_space<hbm>>) dst(%dma_wait3A_557 : memref<128x128xf32, #tpu.memory_space<vmem>>)
      %mul3A_566 = arith.constant 128 : i32
      %mul3A_567 = arith.muli %add3A_551, %mul3A_566 : i32
      %add3A_568 = arith.addi %mul3A_2, %mul3A_567 : i32
      %dma_start3A_569 = arith.constant 6 : i32
      %dma_start3A_570 = arith.constant 6 : i32
      %dma_start3A_571 = arith.constant 0 : i32
      %dma_start3A_572 = arith.constant 0 : i32
      %dma_start3A_573 = tpu.memref_slice %arg6[%dma_start3A_569, %dma_start3A_571, %dma_start3A_572] : memref<7x128x128xf32, #tpu.memory_space<vmem>> -> memref<1x128x128xf32, #tpu.memory_space<vmem>>
      %dma_start3A_574 = tpu.memref_squeeze %dma_start3A_573 : memref<1x128x128xf32, #tpu.memory_space<vmem>> -> memref<128x128xf32, #tpu.memory_space<vmem>>
      %dma_start3A_575 = arith.constant 0 : i32
      %dma_start3A_576 = tpu.memref_slice %arg4[%add3A_568, %dma_start3A_575] : memref<204800x128xf32, #tpu.memory_space<hbm>> -> memref<128x128xf32, #tpu.memory_space<hbm>>
      %dma_start3A_577 = tpu.memref_slice %arg8[%dma_start3A_570] : memref<7x!tpu.dma_semaphore, #tpu.memory_space<semaphore_mem>> -> memref<1x!tpu.dma_semaphore, #tpu.memory_space<semaphore_mem>>
      %dma_start3A_578 = tpu.memref_squeeze %dma_start3A_577 : memref<1x!tpu.dma_semaphore, #tpu.memory_space<semaphore_mem>> -> memref<!tpu.dma_semaphore, #tpu.memory_space<semaphore_mem>>
      %dma_start3A_579 = arith.constant 0 : i32
      %dma_start3A_580 = tpu.memref_slice %arg4[%add3A_568, %dma_start3A_579] : memref<204800x128xf32, #tpu.memory_space<hbm>> -> memref<128x128xf32, #tpu.memory_space<hbm>>
      %dma_start3A_581 = arith.constant 0 : i32
      %dma_start3A_582 = arith.constant 0 : i32
      %dma_start3A_583 = tpu.memref_slice %arg6[%dma_start3A_569, %dma_start3A_581, %dma_start3A_582] : memref<7x128x128xf32, #tpu.memory_space<vmem>> -> memref<1x128x128xf32, #tpu.memory_space<vmem>>
      %dma_start3A_584 = tpu.memref_squeeze %dma_start3A_583 : memref<1x128x128xf32, #tpu.memory_space<vmem>> -> memref<128x128xf32, #tpu.memory_space<vmem>>
      tpu.enqueue_dma source(%dma_start3A_584 : memref<128x128xf32, #tpu.memory_space<vmem>>) target(%dma_start3A_580 : memref<128x128xf32, #tpu.memory_space<hbm>>) target_semaphore(%dma_start3A_578 : memref<!tpu.dma_semaphore, #tpu.memory_space<semaphore_mem>>)
      %add3A_585 = arith.constant 7 : i32
      %add3A_586 = arith.addi %add3A_551, %add3A_585 : i32
      %lt3A_587 = arith.constant 50 : i32
      %lt3A_588 = arith.cmpi slt, %add3A_586, %lt3A_587 : i32
      %convert_element_type3A_589 = arith.extui %lt3A_588 : i1 to i32
      %cond3A_590 = arith.constant 0 : i32
      %cond3A_591 = arith.cmpi ne, %convert_element_type3A_589, %cond3A_590 : i32
      scf.if %cond3A_591 {
        %mul3A_592 = arith.constant 128 : i32
        %mul3A_593 = arith.muli %add3A_551, %mul3A_592 : i32
        %add3A_594 = arith.addi %mul3A_2, %mul3A_593 : i32
        %dma_wait3A_595 = arith.constant 6 : i32
        %dma_wait3A_596 = arith.constant 6 : i32
        %dma_wait3A_597 = arith.constant 0 : i32
        %dma_wait3A_598 = arith.constant 0 : i32
        %dma_wait3A_599 = tpu.memref_slice %arg6[%dma_wait3A_595, %dma_wait3A_597, %dma_wait3A_598] : memref<7x128x128xf32, #tpu.memory_space<vmem>> -> memref<1x128x128xf32, #tpu.memory_space<vmem>>
        %dma_wait3A_600 = tpu.memref_squeeze %dma_wait3A_599 : memref<1x128x128xf32, #tpu.memory_space<vmem>> -> memref<128x128xf32, #tpu.memory_space<vmem>>
        %dma_wait3A_601 = arith.constant 0 : i32
        %dma_wait3A_602 = tpu.memref_slice %arg4[%add3A_594, %dma_wait3A_601] : memref<204800x128xf32, #tpu.memory_space<hbm>> -> memref<128x128xf32, #tpu.memory_space<hbm>>
        %dma_wait3A_603 = tpu.memref_slice %arg8[%dma_wait3A_596] : memref<7x!tpu.dma_semaphore, #tpu.memory_space<semaphore_mem>> -> memref<1x!tpu.dma_semaphore, #tpu.memory_space<semaphore_mem>>
        %dma_wait3A_604 = tpu.memref_squeeze %dma_wait3A_603 : memref<1x!tpu.dma_semaphore, #tpu.memory_space<semaphore_mem>> -> memref<!tpu.dma_semaphore, #tpu.memory_space<semaphore_mem>>
        %dma_wait3A_605 = arith.constant 0 : i32
        %dma_wait3A_606 = tpu.memref_slice %arg4[%add3A_594, %dma_wait3A_605] : memref<204800x128xf32, #tpu.memory_space<hbm>> -> memref<128x128xf32, #tpu.memory_space<hbm>>
        %dma_wait3A_607 = arith.constant 0 : i32
        %dma_wait3A_608 = arith.constant 0 : i32
        %dma_wait3A_609 = tpu.memref_slice %arg6[%dma_wait3A_595, %dma_wait3A_607, %dma_wait3A_608] : memref<7x128x128xf32, #tpu.memory_space<vmem>> -> memref<1x128x128xf32, #tpu.memory_space<vmem>>
        %dma_wait3A_610 = tpu.memref_squeeze %dma_wait3A_609 : memref<1x128x128xf32, #tpu.memory_space<vmem>> -> memref<128x128xf32, #tpu.memory_space<vmem>>
        tpu.wait_dma2 semaphore(%dma_wait3A_604 : memref<!tpu.dma_semaphore, #tpu.memory_space<semaphore_mem>>) src(%dma_wait3A_610 : memref<128x128xf32, #tpu.memory_space<vmem>>) dst(%dma_wait3A_606 : memref<128x128xf32, #tpu.memory_space<hbm>>)
        %add3A_611 = arith.constant 7 : i32
        %add3A_612 = arith.addi %add3A_551, %add3A_611 : i32
        %dma_start3A_613 = arith.constant 6 : i32
        %dma_start3A_614 = arith.constant 6 : i32
        %dma_start3A_615 = arith.constant 0 : i32
        %dma_start3A_616 = arith.constant 0 : i32
        %dma_start3A_617 = tpu.memref_slice %arg6[%dma_start3A_613, %dma_start3A_615, %dma_start3A_616] : memref<7x128x128xf32, #tpu.memory_space<vmem>> -> memref<1x128x128xf32, #tpu.memory_space<vmem>>
        %dma_start3A_618 = tpu.memref_squeeze %dma_start3A_617 : memref<1x128x128xf32, #tpu.memory_space<vmem>> -> memref<128x128xf32, #tpu.memory_space<vmem>>
        %dma_start3A_619 = arith.constant 0 : i32
        %dma_start3A_620 = tpu.memref_slice %arg5[%add3A_612, %dma_start3A_619] : memref<50x128xi32, #tpu.memory_space<vmem>> -> memref<1x128xi32, #tpu.memory_space<vmem>>
        %dma_start3A_621 = tpu.memref_squeeze %dma_start3A_620 : memref<1x128xi32, #tpu.memory_space<vmem>> -> memref<128xi32, #tpu.memory_space<vmem>>
        %dma_start3A_622 = arith.constant 0 : i32
        %dma_start3A_623 = arith.constant 0 : i32
        %dma_start3A_624 = tpu.memref_slice %arg3[%dma_start3A_622, %dma_start3A_623] : memref<100000x128xf32, #tpu.memory_space<hbm>> -> memref<100000x128xf32, #tpu.memory_space<hbm>>
        %dma_start3A_625 = tpu.memref_slice %arg7[%dma_start3A_614] : memref<7x!tpu.dma_semaphore, #tpu.memory_space<semaphore_mem>> -> memref<1x!tpu.dma_semaphore, #tpu.memory_space<semaphore_mem>>
        %dma_start3A_626 = tpu.memref_squeeze %dma_start3A_625 : memref<1x!tpu.dma_semaphore, #tpu.memory_space<semaphore_mem>> -> memref<!tpu.dma_semaphore, #tpu.memory_space<semaphore_mem>>
        tpu.enqueue_indirect_dma source(%dma_start3A_624 : memref<100000x128xf32, #tpu.memory_space<hbm>>) target(%dma_start3A_618 : memref<128x128xf32, #tpu.memory_space<vmem>>) offsets(%dma_start3A_621 : memref<128xi32, #tpu.memory_space<vmem>>) semaphore(%dma_start3A_626 : memref<!tpu.dma_semaphore, #tpu.memory_space<semaphore_mem>>)
      } else {
      }
    }
    %scan3A_138 = arith.constant 7 : i32
    %dma_wait3A_139 = arith.constant 49 : i32
    %dma_wait3A_140 = arith.constant 0 : i32
    %dma_wait3A_141 = arith.constant 0 : i32
    %dma_wait3A_142 = arith.constant 0 : i32
    %dma_wait3A_143 = arith.constant 0 : i32
    %dma_wait3A_144 = tpu.memref_slice %arg6[%dma_wait3A_140, %dma_wait3A_142, %dma_wait3A_143] : memref<7x128x128xf32, #tpu.memory_space<vmem>> -> memref<1x128x128xf32, #tpu.memory_space<vmem>>
    %dma_wait3A_145 = tpu.memref_squeeze %dma_wait3A_144 : memref<1x128x128xf32, #tpu.memory_space<vmem>> -> memref<128x128xf32, #tpu.memory_space<vmem>>
    %dma_wait3A_146 = arith.constant 0 : i32
    %dma_wait3A_147 = tpu.memref_slice %arg5[%dma_wait3A_139, %dma_wait3A_146] : memref<50x128xi32, #tpu.memory_space<vmem>> -> memref<1x128xi32, #tpu.memory_space<vmem>>
    %dma_wait3A_148 = tpu.memref_squeeze %dma_wait3A_147 : memref<1x128xi32, #tpu.memory_space<vmem>> -> memref<128xi32, #tpu.memory_space<vmem>>
    %dma_wait3A_149 = arith.constant 0 : i32
    %dma_wait3A_150 = arith.constant 0 : i32
    %dma_wait3A_151 = tpu.memref_slice %arg3[%dma_wait3A_149, %dma_wait3A_150] : memref<100000x128xf32, #tpu.memory_space<hbm>> -> memref<100000x128xf32, #tpu.memory_space<hbm>>
    %dma_wait3A_152 = tpu.memref_slice %arg7[%dma_wait3A_141] : memref<7x!tpu.dma_semaphore, #tpu.memory_space<semaphore_mem>> -> memref<1x!tpu.dma_semaphore, #tpu.memory_space<semaphore_mem>>
    %dma_wait3A_153 = tpu.memref_squeeze %dma_wait3A_152 : memref<1x!tpu.dma_semaphore, #tpu.memory_space<semaphore_mem>> -> memref<!tpu.dma_semaphore, #tpu.memory_space<semaphore_mem>>
    tpu.wait_indirect_dma semaphore(%dma_wait3A_153 : memref<!tpu.dma_semaphore, #tpu.memory_space<semaphore_mem>>) src(%dma_wait3A_151 : memref<100000x128xf32, #tpu.memory_space<hbm>>) dst(%dma_wait3A_145 : memref<128x128xf32, #tpu.memory_space<vmem>>)
    %add3A_154 = arith.constant 6272 : i32
    %add3A_155 = arith.addi %mul3A_2, %add3A_154 : i32
    %dma_start3A_156 = arith.constant 0 : i32
    %dma_start3A_157 = arith.constant 0 : i32
    %dma_start3A_158 = arith.constant 0 : i32
    %dma_start3A_159 = arith.constant 0 : i32
    %dma_start3A_160 = tpu.memref_slice %arg6[%dma_start3A_156, %dma_start3A_158, %dma_start3A_159] : memref<7x128x128xf32, #tpu.memory_space<vmem>> -> memref<1x128x128xf32, #tpu.memory_space<vmem>>
    %dma_start3A_161 = tpu.memref_squeeze %dma_start3A_160 : memref<1x128x128xf32, #tpu.memory_space<vmem>> -> memref<128x128xf32, #tpu.memory_space<vmem>>
    %dma_start3A_162 = arith.constant 0 : i32
    %dma_start3A_163 = tpu.memref_slice %arg4[%add3A_155, %dma_start3A_162] : memref<204800x128xf32, #tpu.memory_space<hbm>> -> memref<128x128xf32, #tpu.memory_space<hbm>>
    %dma_start3A_164 = tpu.memref_slice %arg8[%dma_start3A_157] : memref<7x!tpu.dma_semaphore, #tpu.memory_space<semaphore_mem>> -> memref<1x!tpu.dma_semaphore, #tpu.memory_space<semaphore_mem>>
    %dma_start3A_165 = tpu.memref_squeeze %dma_start3A_164 : memref<1x!tpu.dma_semaphore, #tpu.memory_space<semaphore_mem>> -> memref<!tpu.dma_semaphore, #tpu.memory_space<semaphore_mem>>
    %dma_start3A_166 = arith.constant 0 : i32
    %dma_start3A_167 = tpu.memref_slice %arg4[%add3A_155, %dma_start3A_166] : memref<204800x128xf32, #tpu.memory_space<hbm>> -> memref<128x128xf32, #tpu.memory_space<hbm>>
    %dma_start3A_168 = arith.constant 0 : i32
    %dma_start3A_169 = arith.constant 0 : i32
    %dma_start3A_170 = tpu.memref_slice %arg6[%dma_start3A_156, %dma_start3A_168, %dma_start3A_169] : memref<7x128x128xf32, #tpu.memory_space<vmem>> -> memref<1x128x128xf32, #tpu.memory_space<vmem>>
    %dma_start3A_171 = tpu.memref_squeeze %dma_start3A_170 : memref<1x128x128xf32, #tpu.memory_space<vmem>> -> memref<128x128xf32, #tpu.memory_space<vmem>>
    tpu.enqueue_dma source(%dma_start3A_171 : memref<128x128xf32, #tpu.memory_space<vmem>>) target(%dma_start3A_167 : memref<128x128xf32, #tpu.memory_space<hbm>>) target_semaphore(%dma_start3A_165 : memref<!tpu.dma_semaphore, #tpu.memory_space<semaphore_mem>>)
    %add3A_172 = arith.constant 5504 : i32
    %add3A_173 = arith.addi %mul3A_2, %add3A_172 : i32
    %dma_wait3A_174 = arith.constant 1 : i32
    %dma_wait3A_175 = arith.constant 1 : i32
    %dma_wait3A_176 = arith.constant 0 : i32
    %dma_wait3A_177 = arith.constant 0 : i32
    %dma_wait3A_178 = tpu.memref_slice %arg6[%dma_wait3A_174, %dma_wait3A_176, %dma_wait3A_177] : memref<7x128x128xf32, #tpu.memory_space<vmem>> -> memref<1x128x128xf32, #tpu.memory_space<vmem>>
    %dma_wait3A_179 = tpu.memref_squeeze %dma_wait3A_178 : memref<1x128x128xf32, #tpu.memory_space<vmem>> -> memref<128x128xf32, #tpu.memory_space<vmem>>
    %dma_wait3A_180 = arith.constant 0 : i32
    %dma_wait3A_181 = tpu.memref_slice %arg4[%add3A_173, %dma_wait3A_180] : memref<204800x128xf32, #tpu.memory_space<hbm>> -> memref<128x128xf32, #tpu.memory_space<hbm>>
    %dma_wait3A_182 = tpu.memref_slice %arg8[%dma_wait3A_175] : memref<7x!tpu.dma_semaphore, #tpu.memory_space<semaphore_mem>> -> memref<1x!tpu.dma_semaphore, #tpu.memory_space<semaphore_mem>>
    %dma_wait3A_183 = tpu.memref_squeeze %dma_wait3A_182 : memref<1x!tpu.dma_semaphore, #tpu.memory_space<semaphore_mem>> -> memref<!tpu.dma_semaphore, #tpu.memory_space<semaphore_mem>>
    %dma_wait3A_184 = arith.constant 0 : i32
    %dma_wait3A_185 = tpu.memref_slice %arg4[%add3A_173, %dma_wait3A_184] : memref<204800x128xf32, #tpu.memory_space<hbm>> -> memref<128x128xf32, #tpu.memory_space<hbm>>
    %dma_wait3A_186 = arith.constant 0 : i32
    %dma_wait3A_187 = arith.constant 0 : i32
    %dma_wait3A_188 = tpu.memref_slice %arg6[%dma_wait3A_174, %dma_wait3A_186, %dma_wait3A_187] : memref<7x128x128xf32, #tpu.memory_space<vmem>> -> memref<1x128x128xf32, #tpu.memory_space<vmem>>
    %dma_wait3A_189 = tpu.memref_squeeze %dma_wait3A_188 : memref<1x128x128xf32, #tpu.memory_space<vmem>> -> memref<128x128xf32, #tpu.memory_space<vmem>>
    tpu.wait_dma2 semaphore(%dma_wait3A_183 : memref<!tpu.dma_semaphore, #tpu.memory_space<semaphore_mem>>) src(%dma_wait3A_189 : memref<128x128xf32, #tpu.memory_space<vmem>>) dst(%dma_wait3A_185 : memref<128x128xf32, #tpu.memory_space<hbm>>)
    %add3A_190 = arith.constant 5632 : i32
    %add3A_191 = arith.addi %mul3A_2, %add3A_190 : i32
    %dma_wait3A_192 = arith.constant 2 : i32
    %dma_wait3A_193 = arith.constant 2 : i32
    %dma_wait3A_194 = arith.constant 0 : i32
    %dma_wait3A_195 = arith.constant 0 : i32
    %dma_wait3A_196 = tpu.memref_slice %arg6[%dma_wait3A_192, %dma_wait3A_194, %dma_wait3A_195] : memref<7x128x128xf32, #tpu.memory_space<vmem>> -> memref<1x128x128xf32, #tpu.memory_space<vmem>>
    %dma_wait3A_197 = tpu.memref_squeeze %dma_wait3A_196 : memref<1x128x128xf32, #tpu.memory_space<vmem>> -> memref<128x128xf32, #tpu.memory_space<vmem>>
    %dma_wait3A_198 = arith.constant 0 : i32
    %dma_wait3A_199 = tpu.memref_slice %arg4[%add3A_191, %dma_wait3A_198] : memref<204800x128xf32, #tpu.memory_space<hbm>> -> memref<128x128xf32, #tpu.memory_space<hbm>>
    %dma_wait3A_200 = tpu.memref_slice %arg8[%dma_wait3A_193] : memref<7x!tpu.dma_semaphore, #tpu.memory_space<semaphore_mem>> -> memref<1x!tpu.dma_semaphore, #tpu.memory_space<semaphore_mem>>
    %dma_wait3A_201 = tpu.memref_squeeze %dma_wait3A_200 : memref<1x!tpu.dma_semaphore, #tpu.memory_space<semaphore_mem>> -> memref<!tpu.dma_semaphore, #tpu.memory_space<semaphore_mem>>
    %dma_wait3A_202 = arith.constant 0 : i32
    %dma_wait3A_203 = tpu.memref_slice %arg4[%add3A_191, %dma_wait3A_202] : memref<204800x128xf32, #tpu.memory_space<hbm>> -> memref<128x128xf32, #tpu.memory_space<hbm>>
    %dma_wait3A_204 = arith.constant 0 : i32
    %dma_wait3A_205 = arith.constant 0 : i32
    %dma_wait3A_206 = tpu.memref_slice %arg6[%dma_wait3A_192, %dma_wait3A_204, %dma_wait3A_205] : memref<7x128x128xf32, #tpu.memory_space<vmem>> -> memref<1x128x128xf32, #tpu.memory_space<vmem>>
    %dma_wait3A_207 = tpu.memref_squeeze %dma_wait3A_206 : memref<1x128x128xf32, #tpu.memory_space<vmem>> -> memref<128x128xf32, #tpu.memory_space<vmem>>
    tpu.wait_dma2 semaphore(%dma_wait3A_201 : memref<!tpu.dma_semaphore, #tpu.memory_space<semaphore_mem>>) src(%dma_wait3A_207 : memref<128x128xf32, #tpu.memory_space<vmem>>) dst(%dma_wait3A_203 : memref<128x128xf32, #tpu.memory_space<hbm>>)
    %add3A_208 = arith.constant 5760 : i32
    %add3A_209 = arith.addi %mul3A_2, %add3A_208 : i32
    %dma_wait3A_210 = arith.constant 3 : i32
    %dma_wait3A_211 = arith.constant 3 : i32
    %dma_wait3A_212 = arith.constant 0 : i32
    %dma_wait3A_213 = arith.constant 0 : i32
    %dma_wait3A_214 = tpu.memref_slice %arg6[%dma_wait3A_210, %dma_wait3A_212, %dma_wait3A_213] : memref<7x128x128xf32, #tpu.memory_space<vmem>> -> memref<1x128x128xf32, #tpu.memory_space<vmem>>
    %dma_wait3A_215 = tpu.memref_squeeze %dma_wait3A_214 : memref<1x128x128xf32, #tpu.memory_space<vmem>> -> memref<128x128xf32, #tpu.memory_space<vmem>>
    %dma_wait3A_216 = arith.constant 0 : i32
    %dma_wait3A_217 = tpu.memref_slice %arg4[%add3A_209, %dma_wait3A_216] : memref<204800x128xf32, #tpu.memory_space<hbm>> -> memref<128x128xf32, #tpu.memory_space<hbm>>
    %dma_wait3A_218 = tpu.memref_slice %arg8[%dma_wait3A_211] : memref<7x!tpu.dma_semaphore, #tpu.memory_space<semaphore_mem>> -> memref<1x!tpu.dma_semaphore, #tpu.memory_space<semaphore_mem>>
    %dma_wait3A_219 = tpu.memref_squeeze %dma_wait3A_218 : memref<1x!tpu.dma_semaphore, #tpu.memory_space<semaphore_mem>> -> memref<!tpu.dma_semaphore, #tpu.memory_space<semaphore_mem>>
    %dma_wait3A_220 = arith.constant 0 : i32
    %dma_wait3A_221 = tpu.memref_slice %arg4[%add3A_209, %dma_wait3A_220] : memref<204800x128xf32, #tpu.memory_space<hbm>> -> memref<128x128xf32, #tpu.memory_space<hbm>>
    %dma_wait3A_222 = arith.constant 0 : i32
    %dma_wait3A_223 = arith.constant 0 : i32
    %dma_wait3A_224 = tpu.memref_slice %arg6[%dma_wait3A_210, %dma_wait3A_222, %dma_wait3A_223] : memref<7x128x128xf32, #tpu.memory_space<vmem>> -> memref<1x128x128xf32, #tpu.memory_space<vmem>>
    %dma_wait3A_225 = tpu.memref_squeeze %dma_wait3A_224 : memref<1x128x128xf32, #tpu.memory_space<vmem>> -> memref<128x128xf32, #tpu.memory_space<vmem>>
    tpu.wait_dma2 semaphore(%dma_wait3A_219 : memref<!tpu.dma_semaphore, #tpu.memory_space<semaphore_mem>>) src(%dma_wait3A_225 : memref<128x128xf32, #tpu.memory_space<vmem>>) dst(%dma_wait3A_221 : memref<128x128xf32, #tpu.memory_space<hbm>>)
    %add3A_226 = arith.constant 5888 : i32
    %add3A_227 = arith.addi %mul3A_2, %add3A_226 : i32
    %dma_wait3A_228 = arith.constant 4 : i32
    %dma_wait3A_229 = arith.constant 4 : i32
    %dma_wait3A_230 = arith.constant 0 : i32
    %dma_wait3A_231 = arith.constant 0 : i32
    %dma_wait3A_232 = tpu.memref_slice %arg6[%dma_wait3A_228, %dma_wait3A_230, %dma_wait3A_231] : memref<7x128x128xf32, #tpu.memory_space<vmem>> -> memref<1x128x128xf32, #tpu.memory_space<vmem>>
    %dma_wait3A_233 = tpu.memref_squeeze %dma_wait3A_232 : memref<1x128x128xf32, #tpu.memory_space<vmem>> -> memref<128x128xf32, #tpu.memory_space<vmem>>
    %dma_wait3A_234 = arith.constant 0 : i32
    %dma_wait3A_235 = tpu.memref_slice %arg4[%add3A_227, %dma_wait3A_234] : memref<204800x128xf32, #tpu.memory_space<hbm>> -> memref<128x128xf32, #tpu.memory_space<hbm>>
    %dma_wait3A_236 = tpu.memref_slice %arg8[%dma_wait3A_229] : memref<7x!tpu.dma_semaphore, #tpu.memory_space<semaphore_mem>> -> memref<1x!tpu.dma_semaphore, #tpu.memory_space<semaphore_mem>>
    %dma_wait3A_237 = tpu.memref_squeeze %dma_wait3A_236 : memref<1x!tpu.dma_semaphore, #tpu.memory_space<semaphore_mem>> -> memref<!tpu.dma_semaphore, #tpu.memory_space<semaphore_mem>>
    %dma_wait3A_238 = arith.constant 0 : i32
    %dma_wait3A_239 = tpu.memref_slice %arg4[%add3A_227, %dma_wait3A_238] : memref<204800x128xf32, #tpu.memory_space<hbm>> -> memref<128x128xf32, #tpu.memory_space<hbm>>
    %dma_wait3A_240 = arith.constant 0 : i32
    %dma_wait3A_241 = arith.constant 0 : i32
    %dma_wait3A_242 = tpu.memref_slice %arg6[%dma_wait3A_228, %dma_wait3A_240, %dma_wait3A_241] : memref<7x128x128xf32, #tpu.memory_space<vmem>> -> memref<1x128x128xf32, #tpu.memory_space<vmem>>
    %dma_wait3A_243 = tpu.memref_squeeze %dma_wait3A_242 : memref<1x128x128xf32, #tpu.memory_space<vmem>> -> memref<128x128xf32, #tpu.memory_space<vmem>>
    tpu.wait_dma2 semaphore(%dma_wait3A_237 : memref<!tpu.dma_semaphore, #tpu.memory_space<semaphore_mem>>) src(%dma_wait3A_243 : memref<128x128xf32, #tpu.memory_space<vmem>>) dst(%dma_wait3A_239 : memref<128x128xf32, #tpu.memory_space<hbm>>)
    %add3A_244 = arith.constant 6016 : i32
    %add3A_245 = arith.addi %mul3A_2, %add3A_244 : i32
    %dma_wait3A_246 = arith.constant 5 : i32
    %dma_wait3A_247 = arith.constant 5 : i32
    %dma_wait3A_248 = arith.constant 0 : i32
    %dma_wait3A_249 = arith.constant 0 : i32
    %dma_wait3A_250 = tpu.memref_slice %arg6[%dma_wait3A_246, %dma_wait3A_248, %dma_wait3A_249] : memref<7x128x128xf32, #tpu.memory_space<vmem>> -> memref<1x128x128xf32, #tpu.memory_space<vmem>>
    %dma_wait3A_251 = tpu.memref_squeeze %dma_wait3A_250 : memref<1x128x128xf32, #tpu.memory_space<vmem>> -> memref<128x128xf32, #tpu.memory_space<vmem>>
    %dma_wait3A_252 = arith.constant 0 : i32
    %dma_wait3A_253 = tpu.memref_slice %arg4[%add3A_245, %dma_wait3A_252] : memref<204800x128xf32, #tpu.memory_space<hbm>> -> memref<128x128xf32, #tpu.memory_space<hbm>>
    %dma_wait3A_254 = tpu.memref_slice %arg8[%dma_wait3A_247] : memref<7x!tpu.dma_semaphore, #tpu.memory_space<semaphore_mem>> -> memref<1x!tpu.dma_semaphore, #tpu.memory_space<semaphore_mem>>
    %dma_wait3A_255 = tpu.memref_squeeze %dma_wait3A_254 : memref<1x!tpu.dma_semaphore, #tpu.memory_space<semaphore_mem>> -> memref<!tpu.dma_semaphore, #tpu.memory_space<semaphore_mem>>
    %dma_wait3A_256 = arith.constant 0 : i32
    %dma_wait3A_257 = tpu.memref_slice %arg4[%add3A_245, %dma_wait3A_256] : memref<204800x128xf32, #tpu.memory_space<hbm>> -> memref<128x128xf32, #tpu.memory_space<hbm>>
    %dma_wait3A_258 = arith.constant 0 : i32
    %dma_wait3A_259 = arith.constant 0 : i32
    %dma_wait3A_260 = tpu.memref_slice %arg6[%dma_wait3A_246, %dma_wait3A_258, %dma_wait3A_259] : memref<7x128x128xf32, #tpu.memory_space<vmem>> -> memref<1x128x128xf32, #tpu.memory_space<vmem>>
    %dma_wait3A_261 = tpu.memref_squeeze %dma_wait3A_260 : memref<1x128x128xf32, #tpu.memory_space<vmem>> -> memref<128x128xf32, #tpu.memory_space<vmem>>
    tpu.wait_dma2 semaphore(%dma_wait3A_255 : memref<!tpu.dma_semaphore, #tpu.memory_space<semaphore_mem>>) src(%dma_wait3A_261 : memref<128x128xf32, #tpu.memory_space<vmem>>) dst(%dma_wait3A_257 : memref<128x128xf32, #tpu.memory_space<hbm>>)
    %add3A_262 = arith.constant 6144 : i32
    %add3A_263 = arith.addi %mul3A_2, %add3A_262 : i32
    %dma_wait3A_264 = arith.constant 6 : i32
    %dma_wait3A_265 = arith.constant 6 : i32
    %dma_wait3A_266 = arith.constant 0 : i32
    %dma_wait3A_267 = arith.constant 0 : i32
    %dma_wait3A_268 = tpu.memref_slice %arg6[%dma_wait3A_264, %dma_wait3A_266, %dma_wait3A_267] : memref<7x128x128xf32, #tpu.memory_space<vmem>> -> memref<1x128x128xf32, #tpu.memory_space<vmem>>
    %dma_wait3A_269 = tpu.memref_squeeze %dma_wait3A_268 : memref<1x128x128xf32, #tpu.memory_space<vmem>> -> memref<128x128xf32, #tpu.memory_space<vmem>>
    %dma_wait3A_270 = arith.constant 0 : i32
    %dma_wait3A_271 = tpu.memref_slice %arg4[%add3A_263, %dma_wait3A_270] : memref<204800x128xf32, #tpu.memory_space<hbm>> -> memref<128x128xf32, #tpu.memory_space<hbm>>
    %dma_wait3A_272 = tpu.memref_slice %arg8[%dma_wait3A_265] : memref<7x!tpu.dma_semaphore, #tpu.memory_space<semaphore_mem>> -> memref<1x!tpu.dma_semaphore, #tpu.memory_space<semaphore_mem>>
    %dma_wait3A_273 = tpu.memref_squeeze %dma_wait3A_272 : memref<1x!tpu.dma_semaphore, #tpu.memory_space<semaphore_mem>> -> memref<!tpu.dma_semaphore, #tpu.memory_space<semaphore_mem>>
    %dma_wait3A_274 = arith.constant 0 : i32
    %dma_wait3A_275 = tpu.memref_slice %arg4[%add3A_263, %dma_wait3A_274] : memref<204800x128xf32, #tpu.memory_space<hbm>> -> memref<128x128xf32, #tpu.memory_space<hbm>>
    %dma_wait3A_276 = arith.constant 0 : i32
    %dma_wait3A_277 = arith.constant 0 : i32
    %dma_wait3A_278 = tpu.memref_slice %arg6[%dma_wait3A_264, %dma_wait3A_276, %dma_wait3A_277] : memref<7x128x128xf32, #tpu.memory_space<vmem>> -> memref<1x128x128xf32, #tpu.memory_space<vmem>>
    %dma_wait3A_279 = tpu.memref_squeeze %dma_wait3A_278 : memref<1x128x128xf32, #tpu.memory_space<vmem>> -> memref<128x128xf32, #tpu.memory_space<vmem>>
    tpu.wait_dma2 semaphore(%dma_wait3A_273 : memref<!tpu.dma_semaphore, #tpu.memory_space<semaphore_mem>>) src(%dma_wait3A_279 : memref<128x128xf32, #tpu.memory_space<vmem>>) dst(%dma_wait3A_275 : memref<128x128xf32, #tpu.memory_space<hbm>>)
    %add3A_280 = arith.constant 6272 : i32
    %add3A_281 = arith.addi %mul3A_2, %add3A_280 : i32
    %dma_wait3A_282 = arith.constant 0 : i32
    %dma_wait3A_283 = arith.constant 0 : i32
    %dma_wait3A_284 = arith.constant 0 : i32
    %dma_wait3A_285 = arith.constant 0 : i32
    %dma_wait3A_286 = tpu.memref_slice %arg6[%dma_wait3A_282, %dma_wait3A_284, %dma_wait3A_285] : memref<7x128x128xf32, #tpu.memory_space<vmem>> -> memref<1x128x128xf32, #tpu.memory_space<vmem>>
    %dma_wait3A_287 = tpu.memref_squeeze %dma_wait3A_286 : memref<1x128x128xf32, #tpu.memory_space<vmem>> -> memref<128x128xf32, #tpu.memory_space<vmem>>
    %dma_wait3A_288 = arith.constant 0 : i32
    %dma_wait3A_289 = tpu.memref_slice %arg4[%add3A_281, %dma_wait3A_288] : memref<204800x128xf32, #tpu.memory_space<hbm>> -> memref<128x128xf32, #tpu.memory_space<hbm>>
    %dma_wait3A_290 = tpu.memref_slice %arg8[%dma_wait3A_283] : memref<7x!tpu.dma_semaphore, #tpu.memory_space<semaphore_mem>> -> memref<1x!tpu.dma_semaphore, #tpu.memory_space<semaphore_mem>>
    %dma_wait3A_291 = tpu.memref_squeeze %dma_wait3A_290 : memref<1x!tpu.dma_semaphore, #tpu.memory_space<semaphore_mem>> -> memref<!tpu.dma_semaphore, #tpu.memory_space<semaphore_mem>>
    %dma_wait3A_292 = arith.constant 0 : i32
    %dma_wait3A_293 = tpu.memref_slice %arg4[%add3A_281, %dma_wait3A_292] : memref<204800x128xf32, #tpu.memory_space<hbm>> -> memref<128x128xf32, #tpu.memory_space<hbm>>
    %dma_wait3A_294 = arith.constant 0 : i32
    %dma_wait3A_295 = arith.constant 0 : i32
    %dma_wait3A_296 = tpu.memref_slice %arg6[%dma_wait3A_282, %dma_wait3A_294, %dma_wait3A_295] : memref<7x128x128xf32, #tpu.memory_space<vmem>> -> memref<1x128x128xf32, #tpu.memory_space<vmem>>
    %dma_wait3A_297 = tpu.memref_squeeze %dma_wait3A_296 : memref<1x128x128xf32, #tpu.memory_space<vmem>> -> memref<128x128xf32, #tpu.memory_space<vmem>>
    tpu.wait_dma2 semaphore(%dma_wait3A_291 : memref<!tpu.dma_semaphore, #tpu.memory_space<semaphore_mem>>) src(%dma_wait3A_297 : memref<128x128xf32, #tpu.memory_space<vmem>>) dst(%dma_wait3A_293 : memref<128x128xf32, #tpu.memory_space<hbm>>)
    return
  }
}

</mosaic_0001>

<sc_bundles>
// kernel: kernel.3.cloned.1.call-start
scs
__scs_entry_jumppad:
0x0: {  	(pc) =	sbr.rel $0x88, $3  }
0x1: {  	(tag) =	ssettag $0x0;
	lr =	simm.s32 $0x1  }
0x2: {  	[smem:$0x3F9F] =	sst lr;
	_ =	strace $0xD0000000  }
0x3: {  	_ = 	snop  }
0x4: {  	_ = 	snop  }
0x5: {  	_ = 	snop  }
0x6: {  	_ = 	snop  }
0x7: {  	_ = 	snop  }
__scs_overlays_trampoline_lowered:
0x8: {  	[smem:$0x3FAE] =	sst s0  }
0x9: {  	[smem:$0x3FAF] =	sst s1  }
0xa: {  	[smem:$0x3FB0] =	sst s2  }
0xb: {  	[smem:$0x3FB1] =	sst s3  }
0xc: {  	[smem:$0x3FB2] =	sst s4  }
0xd: {  	[smem:$0x3FB3] =	sst s5  }
0xe: {  	[smem:$0x3FB4] =	sst s6  }
0xf: {  	[smem:$0x3FB5] =	sst s7  }
0x10: {  	[smem:$0x3FB6] =	sst s8  }
0x11: {  	[smem:$0x3FB7] =	sst s9;
	s0 =	simm.s32 @!p0 $0x0  }
0x12: {  	s1 =	sld [smem:$0x3F9D];
	s0 =	simm.s32 @p0 $0x1  }
0x13: {  	[smem:$0x3FB8] =	sst s0;
	s0 =	simm.s32 @!p1 $0x0  }
0x14: {  	s2 =	sld [smem:$0x3F9C];
	s0 =	simm.s32 @p1 $0x1  }
0x15: {  	[smem:$0x3FB9] =	sst s0;
	s0 =	simm.s32 @!p2 $0x0  }
0x16: {  	s3 =	sld [smem:$0x3FDB];
	s0 =	simm.s32 @p2 $0x1  }
0x17: {  	s4 =	simm.s32 $0x1BF5;
	[smem:$0x3FBB] =	sst s0  }
0x18: {  	s0 =	sld [smem:$0x3F9E];
	_ =	swait.ge [sflag:s4], $0x0  }
0x19: {  	s7 =	sld [smem:$0x3F9F]  }
0x1a: {  	s8 =	sadd.s32 $0xFFFFE003, lr  }
0x1b: {  	s9 =	sadd.s32 $0xFFFFFEF7, lr;
	s5 =	simm.s32 $0xFFFFFFFF;
	p2 =	slt.u32 s8, $0xFFFFF086  }
0x1c: {  	p1 =	slt.u32 s9, $0xF7A;
	s5 =	simm.s32 @!p2 $0x0  }
0x1d: {  	s5 =	simm.s32 @p1 $0x1;
	p0 =	seq.s32 s7, s2  }
0x1e: {  	s7 =	smul.u32 @!p0 $0xF7A, s2;
	p2 =	seq.s32 @!p0 s5, $0x0  }
0x1f: {  	s9 =	smul.u32 $0xF7A, s1;
	s8 =	simm.s32 @!p0 $0x1BF5;
	p2 =	por !p2, p0  }
0x20: {  	[sflag:s8] =	ssyncset.s32 @!p0 $0xFFFFF086;
	s6 =	sadd.s32 @!p0 s3, s7;
	s7 =	simm.s32 @!p0 $0x108  }
0x21: {  	s3 =	sadd.s32 s3, s9;
	s6 =	sadd.s32 @!p0 $0x88, s6;
	s7 =	simm.s32 @p2 $0x1082  }
0x22: {  	[simem:s7], [sflag:s8] =	dma.local @!p0 [hbm:s6], $0xF7A  }
0x23: {  	s9 =	sor.u32 $0xD0000000, s2;
	s6 =	simm.s32 $0x108;
	_ =	swait.ge @!p0 [sflag:s8], $0x0  }
0x24: {  	s3 =	sadd.s32 $0x88, s3;
	s6 =	simm.s32 @!p1 $0x1082;
	[sflag:s4] =	ssyncset.s32 $0xFFFFF086  }
0x25: {  	[simem:s6], [sflag:s4] =	dma.local [hbm:s3], $0xF7A  }
0x26: {  	[smem:$0x3F9F] =	sst s1;
	(tag) =	ssettag s2;
	_ =	strace s9  }
0x27: {  	s1 =	sld [smem:$0x3FAF]  }
0x28: {  	s2 =	sld [smem:$0x3FB0]  }
0x29: {  	s4 =	sld [smem:$0x3FB2]  }
0x2a: {  	p0 =	seq.s32 s5, $0x0;
	s5 =	sld [smem:$0x3FB3]  }
0x2b: {  	s6 =	sld [smem:$0x3FB4]  }
0x2c: {  	s7 =	sld [smem:$0x3FB5]  }
0x2d: {  	s3 =	simm.s32 $0x108;
	s8 =	sld [smem:$0x3FB6]  }
0x2e: {  	s3 =	simm.s32 @!p0 $0x1082;
	s9 =	sld [smem:$0x3FB7]  }
0x2f: {  	lr =	sadd.s32 s0, s3;
	s0 =	sld [smem:$0x3FAE]  }
0x30: {  	s3 =	sld [smem:$0x3FB1]  }
0x31: {  	[smem:$0x3FBA] =	sst s10  }
0x32: {  	s10 =	sld [smem:$0x3FB8];
	_ =	sdelay $0x3  }
0x33: {  	p0 =	seq.s32 s10, $0x1;
	s10 =	sld [smem:$0x3FBA];
	_ =	sdelay $0x3  }
0x34: {  	[smem:$0x3FBA] =	sst s10  }
0x35: {  	s10 =	sld [smem:$0x3FB9];
	_ =	sdelay $0x3  }
0x36: {  	p1 =	seq.s32 s10, $0x1;
	s10 =	sld [smem:$0x3FBA];
	_ =	sdelay $0x3  }
0x37: {  	[smem:$0x3FBA] =	sst s10  }
0x38: {  	s10 =	sld [smem:$0x3FBB]  }
0x39: {  	_ = 	snop;
	(pc) =	sbr.ind lr, $3  }
0x3a: {  	_ = 	snop  }
0x3b: {  	_ = 	snop  }
0x3c: {  	p2 =	seq.s32 s10, $0x1;
	s10 =	sld [smem:$0x3FBA]  }
0x3d: {  	_ =	shalt  }
0x3e: {  	_ =	shalt  }
0x3f: {  	_ =	shalt  }
0x40: {  	_ =	shalt  }
0x41: {  	_ =	shalt  }
0x42: {  	_ =	shalt  }
0x43: {  	_ =	shalt  }
0x44: {  	_ =	shalt  }
0x45: {  	_ =	shalt  }
0x46: {  	_ =	shalt  }
0x47: {  	_ =	shalt  }
0x48: {  	_ =	shalt  }
0x49: {  	_ =	shalt  }
0x4a: {  	_ =	shalt  }
0x4b: {  	_ =	shalt  }
0x4c: {  	_ =	shalt  }
0x4d: {  	_ =	shalt  }
0x4e: {  	_ =	shalt  }
0x4f: {  	_ =	shalt  }
0x50: {  	_ =	shalt  }
0x51: {  	_ =	shalt  }
0x52: {  	_ =	shalt  }
0x53: {  	_ =	shalt  }
0x54: {  	_ =	shalt  }
0x55: {  	_ =	shalt  }
0x56: {  	_ =	shalt  }
0x57: {  	_ =	shalt  }
0x58: {  	_ =	shalt  }
0x59: {  	_ =	shalt  }
0x5a: {  	_ =	shalt  }
0x5b: {  	_ =	shalt  }
0x5c: {  	_ =	shalt  }
0x5d: {  	_ =	shalt  }
0x5e: {  	_ =	shalt  }
0x5f: {  	_ =	shalt  }
0x60: {  	_ =	shalt  }
0x61: {  	_ =	shalt  }
0x62: {  	_ =	shalt  }
0x63: {  	_ =	shalt  }
0x64: {  	_ =	shalt  }
0x65: {  	_ =	shalt  }
0x66: {  	_ =	shalt  }
0x67: {  	_ =	shalt  }
0x68: {  	_ =	shalt  }
0x69: {  	_ =	shalt  }
0x6a: {  	_ =	shalt  }
0x6b: {  	_ =	shalt  }
0x6c: {  	_ =	shalt  }
0x6d: {  	_ =	shalt  }
0x6e: {  	_ =	shalt  }
0x6f: {  	_ =	shalt  }
0x70: {  	_ =	shalt  }
0x71: {  	_ =	shalt  }
0x72: {  	_ =	shalt  }
0x73: {  	_ =	shalt  }
0x74: {  	_ =	shalt  }
0x75: {  	_ =	shalt  }
0x76: {  	_ =	shalt  }
0x77: {  	_ =	shalt  }
0x78: {  	_ =	shalt  }
0x79: {  	_ =	shalt  }
0x7a: {  	_ =	shalt  }
0x7b: {  	_ =	shalt  }
0x7c: {  	_ =	shalt  }
0x7d: {  	_ =	shalt  }
0x7e: {  	_ =	shalt  }
0x7f: {  	_ =	shalt  }
0x80: {  	_ =	shalt  }
0x81: {  	_ =	shalt  }
0x82: {  	_ =	shalt  }
0x83: {  	_ =	shalt  }
0x84: {  	_ =	shalt  }
0x85: {  	_ =	shalt  }
0x86: {  	_ =	shalt  }
0x87: {  	_ =	shalt  }
.Lfunc_end0:
.L_simem_size_0:
called_computation_lowered:
.L_overlay_start_0:
0x88: {  	s2 =	sld [smem:$0x3FD9]  }
0x89: {  	s3 =	sld [smem:$0x3FFE];
	_ =	sdelay $0x1  }
0x8a: {  	s1 =	srdreg.scid  }
0x8b: {  	s0 =	sand.u32 $0x1, s1  }
0x8c: {  	s17 =	sshll.u32 s0, $0xA;
	s2 =	sadd.s32 s3, s2  }
0x8d: {  	s2 =	sadd.s32 s2, s17  }
0x8e: {  	[smem:$0x3FC6] =	sst s2  }
0x8f: {  	_ = 	snop  }
0x90: {  	s2 =	sld [smem:$0x3FC8]  }
0x91: {  	s18 =	sld [smem:$0x3FD0];
	(tm) =	ssettm $0x1  }
0x92: {  	s4 =	sld [smem:$0x3FFB];
	_ =	sdelay $0x3  }
0x93: {  	_ =	strace s4  }
0x94: {  	s4 =	sld [smem:$0x3FFC];
	_ =	sdelay $0x3  }
0x95: {  	_ =	strace s4  }
0x96: {  	s4 =	sld [smem:$0x3FFD];
	_ =	sdelay $0x3  }
0x97: {  	_ =	strace s4  }
0x98: {  	_ =	strace $0x8FFFFFFF  }
0x99: {  	s19 =	sld [smem:$0x3FDB];
	_ =	sdelay $0x1  }
0x9a: {  	s5 =	simm.s32 $_scs_section_size  }
0x9b: {  	s6 =	simm.s32 $_size__tile_overlayer_lowered;
	s7 =	simm.s32 $_tile_overlayer_lowered  }
0x9c: {  	s22 =	simm.s32 $0x1BFF;
	s21 =	sshll.u32 s7, $0x1;
	s4 =	sadd.s32 s5, s19  }
0x9d: {  	s8 =	simm.s32 $0x0;
	s20 =	sshll.u32 s6, $0x1;
	s6 =	sadd.s32 s21, s4  }
0x9e: {  	[timem:s8], [sflag:s22] =	dma.local [hbm:s6], s20  }
0x9f: {  	_ =	swait.ge [sflag:s22], s20  }
0xa0: {  	s5 =	ssub.s32 $0x0, s20;
	[sflag:s22] =	ssyncset.done $0x0  }
0xa1: {  	[sflag:s22] =	ssyncadd.s32 s5;
	_ =	sdelay $0x1  }
0xa2: {  	s23 =	simm.s32 $0x1B8B  }
0xa3: {  	_ =	swait.ge [sflag:s23], $0x1  }
0xa4: {  	[sflag:s23] =	ssyncset.done $0x0  }
0xa5: {  	s25 =	simm.s32 $0x1B8E;
	s24 =	sld [smem:$0x3FFE];
	[sflag:s23] =	ssyncadd.s32 $0xFFFFFFFF  }
0xa6: {  	s26 =	simm.s32 $execute0_lowered;
	[smem:$0x3FD2] =	sst s25  }
0xa7: {  	s6 =	sshll.u32 s26, $0x1;
	_ =	strace $0x80000046;
	[dreg:$0x1] =	wrdreg $0xFFFFFFFF  }
0xa8: {  	s28 =	simm.s32 $_size_execute0_lowered;
	s4 =	sadd.s32 s4, s6;
	[dreg:$0x0] =	wrdreg $0x0  }
0xa9: {  	s6 =	sshll.u32 s28, $0x1;
	[dreg:$0x2] =	wrdreg s4  }
0xaa: {  	[dreg:$0x3] =	wrdreg s6  }
0xab: {  	[dreg:$0x4] =	wrdreg $0xC0  }
0xac: {  	_ =	task [dreg:s8], $0x5FFFF  }
0xad: {  	[dreg:$0x1] =	wrdreg $0xFFFFFFFF  }
0xae: {  	[dreg:$0x0] =	wrdreg $0x60  }
0xaf: {  	[dreg:$0x2] =	wrdreg s24  }
0xb0: {  	[dreg:$0x3] =	wrdreg s2  }
0xb1: {  	[dreg:$0x4] =	wrdreg s18  }
0xb2: {  	[dreg:$0x5] =	wrdreg $0x9  }
0xb3: {  	_ =	task.clear_ibuf [dreg:s8], $0x6FFFF;
	_ =	strace $0x90000046  }
0xb4: {  	s29 =	simm.s32 $0x9;
	_ =	strace $0x80000048  }
0xb5: {  	_ =	swait.ge [sflag:s29], $0x1  }
0xb6: {  	[sflag:s29] =	ssyncadd.s32 $0xFFFFFFFF  }
0xb7: {  	_ =	strace $0x90000048  }
0xb8: {  	_ =	sfence  }
0xb9: {  	s30 =	sld [smem:$0x0];
	_ =	sdelay $0x2  }
0xba: {  	s31 =	sshll.u32 s1, $0xD;
	s1 =	sshrl.u32 s1, $0x2  }
0xbb: {  	s3 =	sand.u32 $0x4000, s31;
	s1 =	sadd.s32 s1, s30  }
0xbc: {  	s0 =	sor.u32 s3, s0;
	s1 =	sshll.u32 s1, $0x11  }
0xbd: {  	s0 =	sor.u32 s1, s0  }
0xbe: {  	s0 =	sadd.s32 $0x8F2B, s0  }
0xbf: {  	[sflag:s0] =	ssyncadd.remote.s32 $0x1  }
0xc0: {  	_ =	sfence.sel $0xFFFF  }
0xc1: {  	[dreg:$0x0] =	wrdreg $0xFFFFFFFF;
	(pc) =	sbr.abs _section_cstart, $3  }
0xc2: {  	[dreg:$0x1] =	wrdreg $0xFFFFFFFF  }
0xc3: {  	_ =	task.clear_ibuf [dreg:s8], $0x2FFFF;
	_ =	strace $0x9FFFFFFF  }
0xc4: {  	(tm) =	ssettm $0x7FFFFFFF  }
0xc5: {  	_ =	shalt  }
tec
execute0_lowered:
.L_overlay_start_1:
0x0: {  	(tag) =	ssettag $0x1  }
0x1: {  	s0 =	rddreg [dreg:$0x0]  }
0x2: {  	s1 =	srdreg.scid;
	s2 =	rddreg [dreg:$0x1]  }
0x3: {  	s9 =	stileid.u32;
	s4 =	rddreg [dreg:$0x2]  }
0x4: {  	s14 =	simm.s32 $0x80;
	s15 =	simm.s32 $0x1C00;
	s16 =	simm.s32 $0x5C00  }
0x5: {  	s20 =	simm.s32 $0xDC00;
	s29 =	simm.s32 $0x1;
	s30 =	simm.s32 $0x8  }
0x6: {  	s1 =	sand.u32 $0x1, s1;
	s3 =	sshll.u32 s9, $0x1;
	s26 =	smul.u32 $0x32000, s9  }
0x7: {  	s5 =	sor.u32 s1, s3;
	s7 =	ssub.s32 $0x2, s1;
	s1 =	smul.u32 $0x19000, s1  }
0x8: {  	s31 =	simm.s32 $0x2;
	s13 =	simm.s32 $0x7;
	s6 =	smul.u32 $0x1C00, s5  }
0x9: {  	s19 =	simm.s32 $0xB;
	s3 =	simm.s32 $0x0;
	s8 =	smul.u32 $0xC8000, s5  }
0xa: {  	[smem:$0x7FF] =	sst s3;
	s21 =	sshrl.u32 s7, $0x1;
	s5 =	smul.u32 $0x19000, s5  }
0xb: {  	s28 =	sadd.s32 s26, s4;
	s26 =	simm.s32 $0x19C00;
	_ =	strace $0x80000047  }
0xc: {  	s11 =	sadd.s32 s1, s28;
	s1 =	simm.s32 $0x4;
	s6 =	sshrl.u32 s6, $0x3  }
0xd: {  	s22 =	sshrl.u32 s8, $0x3;
	s25 =	sadd.s32 s4, s5;
	s0 =	sadd.s32 s6, s0  }
0xe: {  	s6 =	ssub.s32 s7, s21;
	s24 =	sadd.s32 s4, s22;
	s8 =	sadd.s32 $0x16000, s25  }
0xf: {  	s9 =	sadd.s32 $0x17000, s25;
	s21 =	simm.s32 $0xC;
	s23 =	sadd.s32 $0x400, s0  }
.Ltmp0:
0x10: {  	s0 =	sadd.s32 $0x480, s0;
	[dreg:$0x4] =	wrdreg s23;
	(pc) =	sbr.rel .LBB2_1-.Ltmp0, $4  }
0x11: {  	s22 =	simm.s32 $0xD;
	s6 =	smax.u32 s6, $0x1;
	[dreg:$0x5] =	wrdreg s0  }
0x12: {  	s0 =	sadd.s32 $0x18800, s24;
	[dreg:$0x7] =	wrdreg s6;
	s24 =	simm.s32 $0x15C00  }
0x13: {  	s23 =	simm.s32 $0xE;
	[dreg:$0x6] =	wrdreg s0;
	s0 =	sadd.s32 $0x18000, s25  }
0x14: {  	s25 =	simm.s32 $0x0;
	[dreg:$0x8] =	wrdreg s0;
	s0 =	simm.s32 $0x6  }
.LBB2_4:
0x15: {  	_ =	swait.ge [sflag:s13], $0x4000  }
0x16: {  	[sflag:s13] =	ssyncset.done $0x0  }
0x17: {  	s4 =	rddreg [dreg:$0x8];
	[sflag:s13] =	ssyncadd.s32 $0xFFFFC000  }
0x18: {  	[hbm4b:s4+s3] =	stream.linear.scatter [tilespmem:s26], [sflag:$0xE], $0x4000, $0x38;
	[tilespmem:$0x1DC00] =	vst v63  }
0x19: {  	_ =	swait.ge [sflag:s29], $0x4000  }
0x1a: {  	[sflag:s29] =	ssyncset.done $0x0  }
0x1b: {  	s17 =	simm.s32 $0x9;
	s12 =	rddreg [dreg:$0x6];
	[sflag:s29] =	ssyncadd.s32 $0xFFFFC000  }
0x1c: {  	[hbm4b:s12+s3] =	stream.linear.scatter [tilespmem:s15], [sflag:$0x8], $0x4000, $0x38;
	[tilespmem:$0x1DC00] =	vst v63  }
0x1d: {  	_ =	swait.ge [sflag:s17], $0x4000  }
0x1e: {  	[sflag:s17] =	ssyncset.done $0x0  }
0x1f: {  	s18 =	simm.s32 $0xA;
	[sflag:s17] =	ssyncadd.s32 $0xFFFFC000  }
0x20: {  	_ =	swait.ge [sflag:s18], $0x4000  }
0x21: {  	[sflag:s18] =	ssyncset.done $0x0  }
0x22: {  	[sflag:s18] =	ssyncadd.s32 $0xFFFFC000  }
0x23: {  	_ =	swait.ge [sflag:s19], $0x4000  }
0x24: {  	[sflag:s19] =	ssyncset.done $0x0  }
0x25: {  	[sflag:s19] =	ssyncadd.s32 $0xFFFFC000  }
0x26: {  	_ =	swait.ge [sflag:s21], $0x4000  }
0x27: {  	[sflag:s21] =	ssyncset.done $0x0  }
0x28: {  	[sflag:s21] =	ssyncadd.s32 $0xFFFFC000  }
0x29: {  	_ =	swait.ge [sflag:s22], $0x4000  }
0x2a: {  	[sflag:s22] =	ssyncset.done $0x0  }
0x2b: {  	[sflag:s22] =	ssyncadd.s32 $0xFFFFC000  }
0x2c: {  	_ =	swait.ge [sflag:s23], $0x4000  }
0x2d: {  	[sflag:s23] =	ssyncset.done $0x0  }
0x2e: {  	[sflag:s23] =	ssyncadd.s32 $0xFFFFC000  }
0x2f: {  	_ =	swait.ge [sflag:s30], $0x4000  }
0x30: {  	s25 =	sadd.s32 $0x1, s25;
	s28 =	rddreg [dreg:$0x7]  }
0x31: {  	p0 =	sne.s32 s25, s28  }
.Ltmp1:
0x32: {  	_ = 	snop;
	(pc) =	sbr.rel @!p0 .LBB2_5-.Ltmp1, $3  }
0x33: {  	_ =	sdelay $0x1  }
0x34: {  	[sflag:s30] =	ssyncset.done $0x0  }
0x35: {  	[sflag:s30] =	ssyncadd.s32 $0xFFFFC000  }
.LBB2_1:
0x36: {  	s4 =	rddreg [dreg:$0x4];
	s18 =	simm.s32 $0x10  }
0x37: {  	[tilespmem:s3], [sflag:$0x10] =	stream.linear.gather [hbm4b:s4+s3], $0x400, $0x38;
	[tilespmem:$0x1DC00] =	vst v63  }
0x38: {  	_ =	swait.ge [sflag:s18], $0x400  }
0x39: {  	[sflag:s18] =	ssyncset.done $0x0  }
0x3a: {  	s5 =	simm.s32 $0x400;
	s28 =	rddreg [dreg:$0x5];
	[sflag:s18] =	ssyncadd.s32 $0xFFFFFC00  }
0x3b: {  	[tilespmem:s5], [sflag:$0xF] =	stream.linear.gather [hbm4b:s28+s3], $0x1500, $0x38;
	[tilespmem:$0x1DC00] =	vst v63  }
0x3c: {  	_ = 	snop  }
0x3d: {  	[tilespmem:s15], [sflag:$0x1] =	stream.indirect.gather [hbm4b:s2+s14], $0x80, s3, s14, $0xb8;
	[tilespmem:$0x1DC00] =	vst v63  }
0x3e: {  	_ = 	snop  }
0x3f: {  	[tilespmem:s16], [sflag:$0x2] =	stream.indirect.gather [hbm4b:s2+s14], $0x80, s14, s14, $0xb8;
	[tilespmem:$0x1DC00] =	vst v63  }
0x40: {  	s6 =	simm.s32 $0x9C00;
	s5 =	simm.s32 $0x100  }
0x41: {  	[tilespmem:s6], [sflag:$0x3] =	stream.indirect.gather [hbm4b:s2+s14], $0x80, s5, s14, $0xb8;
	[tilespmem:$0x1DC00] =	vst v63  }
0x42: {  	s7 =	simm.s32 $0x180  }
0x43: {  	[tilespmem:s20], [sflag:$0x4] =	stream.indirect.gather [hbm4b:s2+s14], $0x80, s7, s14, $0xb8;
	[tilespmem:$0x1DC00] =	vst v63  }
0x44: {  	s10 =	simm.s32 $0x200;
	s12 =	simm.s32 $0x11C00  }
0x45: {  	[tilespmem:s12], [sflag:$0x5] =	stream.indirect.gather [hbm4b:s2+s14], $0x80, s10, s14, $0xb8;
	[tilespmem:$0x1DC00] =	vst v63  }
0x46: {  	s17 =	simm.s32 $0x280  }
0x47: {  	[tilespmem:s24], [sflag:$0x6] =	stream.indirect.gather [hbm4b:s2+s14], $0x80, s17, s14, $0xb8;
	[tilespmem:$0x1DC00] =	vst v63  }
0x48: {  	s18 =	simm.s32 $0x300;
	s28 =	simm.s32 $0xF  }
0x49: {  	[tilespmem:s26], [sflag:$0x7] =	stream.indirect.gather [hbm4b:s2+s14], $0x80, s18, s14, $0xb8;
	[tilespmem:$0x1DC00] =	vst v63  }
0x4a: {  	_ =	swait.ge [sflag:s28], $0x1500  }
0x4b: {  	[sflag:s28] =	ssyncset.done $0x0  }
0x4c: {  	s4 =	simm.s32 $0x680;
	s5 =	simm.s32 $0x0;
	[sflag:s28] =	ssyncadd.s32 $0xFFFFEB00  }
.LBB2_2:
0x4d: {  	_ =	swait.ge [sflag:s29], $0x4000  }
0x4e: {  	[sflag:s29] =	ssyncset.done $0x0  }
0x4f: {  	s6 =	sadd.s32 s5, s11;
	[sflag:s29] =	ssyncadd.s32 $0xFFFFC000  }
0x50: {  	[hbm4b:s6+s3] =	stream.linear.scatter [tilespmem:s15], [sflag:$0x8], $0x4000, $0x38;
	[tilespmem:$0x1DC00] =	vst v63  }
0x51: {  	_ =	swait.ge [sflag:s30], $0x4000  }
0x52: {  	[sflag:s30] =	ssyncset.done $0x0  }
0x53: {  	s7 =	sadd.s32 $0xFFFFFD00, s4;
	[sflag:s30] =	ssyncadd.s32 $0xFFFFC000  }
0x54: {  	[tilespmem:s15], [sflag:$0x1] =	stream.indirect.gather [hbm4b:s2+s14], $0x80, s7, s14, $0xb8;
	[tilespmem:$0x1DC00] =	vst v63  }
0x55: {  	_ =	swait.ge [sflag:s31], $0x4000  }
0x56: {  	p0 =	seq.s32 s5, $0x15000;
	[sflag:s31] =	ssyncset.done $0x0  }
0x57: {  	s18 =	sadd.s32 $0x800, s6;
	s7 =	simm.s32 @p0 $0x3;
	[sflag:s31] =	ssyncadd.s32 $0xFFFFC000  }
0x58: {  	[hbm4b:s18+s3] =	stream.linear.scatter [tilespmem:s16], [sflag:$0x9], $0x4000, $0x38;
	[tilespmem:$0x1DC00] =	vst v63  }
0x59: {  	_ =	swait.ge @p0 [sflag:s7], $0x4000  }
0x5a: {  	[sflag:s7] =	ssyncset.done @p0 $0x0  }
0x5b: {  	s10 =	simm.s32 @p0 $0x9C00;
	[sflag:s7] =	ssyncadd.s32 @p0 $0xFFFFC000;
	s7 =	simm.s32 @p0 $0x0  }
0x5c: {  	[hbm4b:s8+s7] =	stream.linear.scatter @p0 [tilespmem:s10], [sflag:$0xA], $0x4000, $0x38;
	[tilespmem:$0x1DC00] =	vst v63  }
0x5d: {  	s10 =	simm.s32 @!p0 $0x9  }
0x5e: {  	_ =	swait.ge @!p0 [sflag:s10], $0x4000  }
0x5f: {  	s12 =	simm.s32 @!p0 $0x80;
	[sflag:s10] =	ssyncset.done @!p0 $0x0  }
0x60: {  	s28 =	simm.s32 @!p0 $0x5C00;
	[sflag:s10] =	ssyncadd.s32 @!p0 $0xFFFFC000;
	s10 =	sadd.s32 @!p0 $0xFFFFFD80, s4  }
0x61: {  	[tilespmem:s28], [sflag:$0x2] =	stream.indirect.gather @!p0 [hbm4b:s2+s12], $0x80, s10, s12, $0xb8;
	[tilespmem:$0x1DC00] =	vst v63  }
0x62: {  	s10 =	simm.s32 @!p0 $0x3  }
0x63: {  	_ =	swait.ge @!p0 [sflag:s10], $0x4000  }
0x64: {  	[sflag:s10] =	ssyncset.done @!p0 $0x0  }
0x65: {  	[sflag:s10] =	ssyncadd.s32 @!p0 $0xFFFFC000;
	s10 =	sadd.s32 @!p0 s5, s11  }
0x66: {  	s17 =	simm.s32 @!p0 $0x0;
	s18 =	simm.s32 @!p0 $0x9C00;
	s28 =	sadd.s32 @!p0 $0x1000, s10  }
0x67: {  	[hbm4b:s28+s17] =	stream.linear.scatter @!p0 [tilespmem:s18], [sflag:$0xA], $0x4000, $0x38;
	[tilespmem:$0x1DC00] =	vst v63  }
0x68: {  	s28 =	simm.s32 @!p0 $0xA  }
0x69: {  	_ =	swait.ge @!p0 [sflag:s28], $0x4000  }
0x6a: {  	[sflag:s28] =	ssyncset.done @!p0 $0x0  }
0x6b: {  	[sflag:s28] =	ssyncadd.s32 @!p0 $0xFFFFC000;
	s28 =	sadd.s32 @!p0 $0xFFFFFE00, s4  }
0x6c: {  	[tilespmem:s18], [sflag:$0x3] =	stream.indirect.gather @!p0 [hbm4b:s2+s12], $0x80, s28, s12, $0xb8;
	[tilespmem:$0x1DC00] =	vst v63  }
0x6d: {  	_ =	swait.ge [sflag:s1], $0x4000  }
0x6e: {  	[sflag:s1] =	ssyncset.done $0x0  }
0x6f: {  	s28 =	sadd.s32 $0x1800, s6;
	s18 =	simm.s32 @p0 $0x5;
	[sflag:s1] =	ssyncadd.s32 $0xFFFFC000  }
0x70: {  	[hbm4b:s28+s3] =	stream.linear.scatter [tilespmem:s20], [sflag:$0xB], $0x4000, $0x38;
	[tilespmem:$0x1DC00] =	vst v63  }
0x71: {  	_ =	swait.ge @p0 [sflag:s18], $0x4000  }
0x72: {  	[sflag:s18] =	ssyncset.done @p0 $0x0  }
0x73: {  	[sflag:s18] =	ssyncadd.s32 @p0 $0xFFFFC000;
	s18 =	simm.s32 @p0 $0x11C00  }
0x74: {  	[hbm4b:s9+s7] =	stream.linear.scatter @p0 [tilespmem:s18], [sflag:$0xC], $0x4000, $0x38;
	[tilespmem:$0x1DC00] =	vst v63  }
0x75: {  	s7 =	simm.s32 @!p0 $0xB  }
0x76: {  	_ =	swait.ge @!p0 [sflag:s7], $0x4000  }
0x77: {  	[sflag:s7] =	ssyncset.done @!p0 $0x0  }
0x78: {  	s18 =	simm.s32 @!p0 $0xDC00;
	[sflag:s7] =	ssyncadd.s32 @!p0 $0xFFFFC000;
	s7 =	sadd.s32 @!p0 $0xFFFFFE80, s4  }
0x79: {  	[tilespmem:s18], [sflag:$0x4] =	stream.indirect.gather @!p0 [hbm4b:s2+s12], $0x80, s7, s12, $0xb8;
	[tilespmem:$0x1DC00] =	vst v63  }
0x7a: {  	s7 =	simm.s32 @!p0 $0x5  }
0x7b: {  	_ =	swait.ge @!p0 [sflag:s7], $0x4000  }
0x7c: {  	[sflag:s7] =	ssyncset.done @!p0 $0x0  }
0x7d: {  	[sflag:s7] =	ssyncadd.s32 @!p0 $0xFFFFC000;
	s7 =	sadd.s32 @!p0 $0x2000, s10;
	s10 =	simm.s32 @!p0 $0x11C00  }
0x7e: {  	[hbm4b:s7+s17] =	stream.linear.scatter @!p0 [tilespmem:s10], [sflag:$0xC], $0x4000, $0x38;
	[tilespmem:$0x1DC00] =	vst v63  }
0x7f: {  	s7 =	simm.s32 @!p0 $0xC  }
0x80: {  	_ =	swait.ge @!p0 [sflag:s7], $0x4000  }
0x81: {  	[sflag:s7] =	ssyncset.done @!p0 $0x0  }
0x82: {  	[sflag:s7] =	ssyncadd.s32 @!p0 $0xFFFFC000;
	s7 =	sadd.s32 @!p0 $0xFFFFFF00, s4  }
0x83: {  	[tilespmem:s10], [sflag:$0x5] =	stream.indirect.gather @!p0 [hbm4b:s2+s12], $0x80, s7, s12, $0xb8;
	[tilespmem:$0x1DC00] =	vst v63  }
.Ltmp2:
0x84: {  	_ = 	snop;
	(pc) =	sbr.rel @p0 .LBB2_4-.Ltmp2, $4  }
0x85: {  	_ =	swait.ge [sflag:s0], $0x4000  }
0x86: {  	[sflag:s0] =	ssyncset.done $0x0  }
0x87: {  	s28 =	sadd.s32 $0x2800, s6;
	[sflag:s0] =	ssyncadd.s32 $0xFFFFC000  }
0x88: {  	[hbm4b:s28+s3] =	stream.linear.scatter [tilespmem:s24], [sflag:$0xD], $0x4000, $0x38;
	[tilespmem:$0x1DC00] =	vst v63  }
0x89: {  	_ =	swait.ge [sflag:s22], $0x4000  }
0x8a: {  	[sflag:s22] =	ssyncset.done $0x0  }
0x8b: {  	s7 =	sadd.s32 $0xFFFFFF80, s4;
	[sflag:s22] =	ssyncadd.s32 $0xFFFFC000  }
0x8c: {  	[tilespmem:s24], [sflag:$0x6] =	stream.indirect.gather [hbm4b:s2+s14], $0x80, s7, s14, $0xb8;
	[tilespmem:$0x1DC00] =	vst v63  }
0x8d: {  	_ =	swait.ge [sflag:s13], $0x4000  }
0x8e: {  	[sflag:s13] =	ssyncset.done $0x0  }
0x8f: {  	s6 =	sadd.s32 $0x3000, s6;
	[sflag:s13] =	ssyncadd.s32 $0xFFFFC000  }
0x90: {  	[hbm4b:s6+s3] =	stream.linear.scatter [tilespmem:s26], [sflag:$0xE], $0x4000, $0x38;
	[tilespmem:$0x1DC00] =	vst v63  }
.Ltmp3:
0x91: {  	_ =	swait.ge [sflag:s23], $0x4000;
	(pc) =	sbr.rel .LBB2_2-.Ltmp3, $4  }
0x92: {  	[sflag:s23] =	ssyncset.done $0x0  }
0x93: {  	[sflag:s23] =	ssyncadd.s32 $0xFFFFC000  }
0x94: {  	[tilespmem:s26], [sflag:$0x7] =	stream.indirect.gather [hbm4b:s2+s14], $0x80, s4, s14, $0xb8;
	[tilespmem:$0x1DC00] =	vst v63  }
0x95: {  	s5 =	sadd.s32 $0x3800, s5;
	s4 =	sadd.s32 $0x380, s4  }
.LBB2_5:
0x96: {  	_ =	sfence.sel $0x180000  }
0x97: {  	[bflag:$0x0] =	sbarrier.arrive $0xFFFF  }
0x98: {  	_ =	strace $0x90000047  }
0x99: {  	s0 =	stileid.u32;
	[bflag:$0x2] =	sbarrier.arrive $0xFFFF  }
0x9a: {  	p0 =	sne.s32 s0, $0x0;
	s0 =	rddreg [dreg:$0x3]  }
0x9b: {  	s0 =	sadd.s32 @!p0 $0x100000, s0  }
0x9c: {  	[sflag:s0] =	ssyncadd.tile.s32 @!p0 $0x1;
	_ =	shalt  }
.Lfunc_end2:
_tile_overlayer_lowered:
.L_overlay_start_2:
0x9d: {  	(tag) =	ssettag $0x2  }
0x9e: {  	s0 =	rddreg [dreg:$0x0];
	s2 =	stileid.u32  }
0x9f: {  	s1 =	rddreg [dreg:$0x1];
	p0 =	sne.s32 s2, $0x0  }
0xa0: {  	s3 =	rddreg [dreg:$0x2];
	[bflag:$0x3] =	sbarrier.arrive $0xFFFF;
	s2 =	simm.s32 @!p0 $0x1C10  }
0xa1: {  	[timem:s3], [sflag:s2] =	dma.local @!p0 [hbm:s0], s1  }
0xa2: {  	s0 =	simm.s32 @!p0 $0x10  }
0xa3: {  	_ =	swait.ge @!p0 [sflag:s0], s1  }
0xa4: {  	s1 =	ssub.s32 @!p0 $0x0, s1;
	[sflag:s0] =	ssyncset.done @!p0 $0x0  }
0xa5: {  	[sflag:s0] =	ssyncadd.s32 @!p0 s1  }
0xa6: {  	[bflag:$0x3] =	sbarrier.arrive $0xFFFF  }
0xa7: {  	_ =	shalt  }

</sc_bundles>
